<compile_context>
chip_gen: v7x
topology: tpu7x:2x2x1
jax: 0.10.2.dev20260603
libtpu: 0.0.44.dev20260713+nightly
codegen_flags: <defaults>
</compile_context>

<pallas_src>
import jax
import jax.numpy as jnp
from jax import lax
from jax.experimental import pallas as pl
from jax.experimental.pallas import tpu as pltpu
from jax.experimental.pallas import tpu_sc as plsc

B = 16384
F = 26
D = 32
NW = 32
ROWS = B // NW
GCH = 128
CPF = ROWS // GCH
NCH = F * CPF
LOOKAHEAD = 32


V = 1000000
STAGERS = 8
WCH = 124928
WLAST = V - (STAGERS - 1) * WCH


def _first_order_body(idx_hbm, val_hbm, w_hbm, out_hbm, idx_v, val_v, g_v,
                      out_v, w_sh, sem):
    sid = lax.axis_index("s")
    wid = sid * 2 + lax.axis_index("c")
    base = wid * ROWS

    @pl.when(sid < STAGERS - 1)
    def _stage_w():
        sl = pl.ds(sid * WCH, WCH)
        pltpu.sync_copy(w_hbm.at[:, sl], w_sh.at[:, sl])

    @pl.when(sid == STAGERS - 1)
    def _stage_w_last():
        sl = pl.ds((STAGERS - 1) * WCH, WLAST)
        pltpu.sync_copy(w_hbm.at[:, sl], w_sh.at[:, sl])

    pltpu.sync_copy(idx_hbm.at[:, pl.ds(base, ROWS)], idx_v)
    pltpu.sync_copy(val_hbm.at[:, pl.ds(base, ROWS)], val_v)
    plsc.subcore_barrier()

    @pl.loop(0, NCH + LOOKAHEAD)
    def _pipe(c):
        @pl.when(c < NCH)
        def _fire():
            f, off = c // CPF, (c % CPF) * GCH
            pltpu.async_copy(w_sh.at[idx_v.at[pl.ds(f, 1), pl.ds(off, GCH)]],
                             g_v.at[pl.ds(f, 1), pl.ds(off, GCH)], sem)

        @pl.when(c >= LOOKAHEAD)
        def _drain():
            d = c - LOOKAHEAD
            f, off = d // CPF, (d % CPF) * GCH
            pltpu.make_async_copy(w_sh.at[idx_v.at[pl.ds(f, 1), pl.ds(off, GCH)]],
                                  g_v.at[pl.ds(f, 1), pl.ds(off, GCH)], sem).wait()

    @pl.loop(0, ROWS // 16)
    def _rows(j):
        sl = pl.ds(j * 16, 16)
        acc = jnp.zeros((16,), jnp.float32)
        for f in range(F):
            acc += g_v[f, sl] * val_v[f, sl]
        out_v[sl] = acc

    pltpu.sync_copy(out_v, out_hbm.at[pl.ds(base, ROWS)])


def _first_order(idx_t, val_t, w2d):
    mesh = plsc.VectorSubcoreMesh(core_axis_name="c", subcore_axis_name="s")
    return pl.kernel(
        _first_order_body,
        out_type=jax.ShapeDtypeStruct((B,), jnp.float32),
        mesh=mesh,
        scratch_types=[
            pltpu.VMEM((F, ROWS), jnp.int32),
            pltpu.VMEM((F, ROWS), jnp.float32),
            pltpu.VMEM((F, ROWS), jnp.float32),
            pltpu.VMEM((ROWS,), jnp.float32),
            pltpu.VMEM_SHARED((1, V), jnp.float32),
            pltpu.SemaphoreType.DMA,
        ],
    )(idx_t, val_t, w2d)


CBB = 2048


def _second_order_body(x_ref, o_ref):
    x = x_ref[...]
    sq = jnp.sum(x * x, axis=0)
    s = jnp.zeros((D, CBB), jnp.float32)
    for f in range(F):
        s += x[f * D:(f + 1) * D, :]
    ss = jnp.sum(s * s, axis=0)
    o_ref[...] = 0.5 * (ss - sq)


def _second_order(x2d):
    return pl.pallas_call(
        _second_order_body,
        grid=(B // CBB,),
        in_specs=[pl.BlockSpec((F * D, CBB), lambda i: (0, i))],
        out_specs=pl.BlockSpec((CBB,), lambda i: (i,)),
        out_shape=jax.ShapeDtypeStruct((B,), jnp.float32),
        compiler_params=pltpu.CompilerParams(
            dimension_semantics=("arbitrary",)),
    )(x2d)


def kernel(inputs_index, inputs_value, embed_inputs, w):
    idx_t = inputs_index.T.astype(jnp.int32)
    val_t = inputs_value.T
    x2d = jnp.transpose(embed_inputs, (1, 2, 0)).reshape(F * D, B)
    first = _first_order(idx_t, val_t, w.T)
    second = _second_order(x2d)
    return (first + second)[:, None]

# --- scband reference (transcript-rebuilt; emitter-appended) ---
"""Pipeline reference for scband-fm-73624329388527 (READ-ONLY COPY).

The authoritative reference and input builder live on the scoring server;
editing this copy changes nothing except your own understanding.
"""

import jax, jax.numpy as jnp
import numpy as np

FEATURE_LENGTH = 1000000
LEN_FEATURE_COLUMNS = 26
BATCH = 16384
EMBED_DIM = 32


def setup_inputs(seed: int = 0) -> dict:
    key = jax.random.key(seed)
    k1, k2, k3, k4 = jax.random.split(key, 4)
    inputs_index = jax.random.randint(k1, (BATCH, LEN_FEATURE_COLUMNS), 0, FEATURE_LENGTH, dtype=jnp.int64 if jax.config.jax_enable_x64 else jnp.int32)
    inputs_value = jax.random.uniform(k2, (BATCH, LEN_FEATURE_COLUMNS), dtype=jnp.float32)
    embed_inputs = jax.random.normal(k3, (BATCH, LEN_FEATURE_COLUMNS, EMBED_DIM), dtype=jnp.float32)
    # learned parameter: first-order weight vector w of shape (feature_length, 1)
    w = jax.random.normal(k4, (FEATURE_LENGTH, 1), dtype=jnp.float32) * 0.05
    return {"inputs_index": inputs_index, "inputs_value": inputs_value, "embed_inputs": embed_inputs, "w": w}


def reference(inputs_index, inputs_value, embed_inputs, w):
    # first-order term: embedding lookup on w, weighted by feature values
    inputs_value = jnp.reshape(inputs_value, (-1, LEN_FEATURE_COLUMNS, 1))
    first_or = jnp.take(w, inputs_index, axis=0)  # (B, F, 1)
    first_order = first_or * inputs_value
    first_order = jnp.sum(first_order, axis=1)  # (B, 1)
    # second-order FM interaction term
    square_sum = jnp.square(jnp.sum(embed_inputs, axis=1, keepdims=True))  # (B, 1, D)
    sum_square = jnp.sum(jnp.square(embed_inputs), axis=1, keepdims=True)  # (B, 1, D)
    second_order = 0.5 * jnp.sum(square_sum - sum_square, axis=2)  # (B, 1)
    return first_order + second_order

if __name__ == "__main__":
    import jax
    _d = setup_inputs()
    print(jax.jit(kernel)(*tuple(_d.values())))

</pallas_src>

<mosaic_0001>
#map = affine_map<(d0, d1) -> (0, 0)>
#map1 = affine_map<(d0, d1) -> (0)>
module attributes {stable_mosaic.version = 14 : i64} {
  func.func @_first_order_body(%arg0: i32, %arg1: i32, %arg2: memref<26x16384xi32, #tpu.memory_space<hbm>>, %arg3: memref<26x16384xf32, #tpu.memory_space<hbm>>, %arg4: memref<1x1000000xf32, #tpu.memory_space<hbm>>, %arg5: memref<16384xf32, #tpu.memory_space<hbm>>, %arg6: memref<26x512xi32, #tpu.memory_space<vmem>>, %arg7: memref<26x512xf32, #tpu.memory_space<vmem>>, %arg8: memref<26x512xf32, #tpu.memory_space<vmem>>, %arg9: memref<512xf32, #tpu.memory_space<vmem>>, %arg10: memref<1x1000000xf32, #tpu.memory_space<vmem_shared>>, %arg11: memref<!tpu.dma_semaphore, #tpu.memory_space<semaphore_mem>>) attributes {dimension_semantics = [#tpu.dimension_semantics<core_parallel>, #tpu.dimension_semantics<subcore_parallel>], iteration_bounds = array<i64: 2, 16>, scalar_prefetch = 0 : i64, scratch_operands = 6 : i64, tpu.core_type = #tpu.core_type<sc_vector_subcore>, window_params = [{transform_indices = #map}, {transform_indices = #map}, {transform_indices = #map}, {transform_indices = #map1}]} {
    %mul3A = arith.constant 2 : i32
    %mul3A_0 = arith.muli %arg1, %mul3A : i32
    %add3A = arith.addi %mul3A_0, %arg0 : i32
    %mul3A_1 = arith.constant 512 : i32
    %mul3A_2 = arith.muli %add3A, %mul3A_1 : i32
    %lt3A = arith.constant 7 : i32
    %lt3A_3 = arith.cmpi slt, %arg1, %lt3A : i32
    %convert_element_type3A = arith.extui %lt3A_3 : i1 to i32
    %cond3A = arith.constant 0 : i32
    %cond3A_4 = arith.cmpi ne, %convert_element_type3A, %cond3A : i32
    scf.if %cond3A_4 {
      %mul3A_18 = arith.constant 124928 : i32
      %mul3A_19 = arith.muli %arg1, %mul3A_18 : i32
      "tpu.region"() ({
        %run_scoped3A = tpu.sem_alloc : memref<!tpu.dma_semaphore, #tpu.memory_space<semaphore_mem>>
        %dma_start3A = arith.constant 0 : i32
        %dma_start3A_20 = tpu.memref_slice %arg10[%dma_start3A, %mul3A_19] : memref<1x1000000xf32, #tpu.memory_space<vmem_shared>> -> memref<1x124928xf32, #tpu.memory_space<vmem_shared>>
        %dma_start3A_21 = arith.constant 0 : i32
        %dma_start3A_22 = tpu.memref_slice %arg4[%dma_start3A_21, %mul3A_19] : memref<1x1000000xf32, #tpu.memory_space<hbm>> -> memref<1x124928xf32, #tpu.memory_space<hbm>>
        tpu.enqueue_dma source(%dma_start3A_22 : memref<1x124928xf32, #tpu.memory_space<hbm>>) target(%dma_start3A_20 : memref<1x124928xf32, #tpu.memory_space<vmem_shared>>) target_semaphore(%run_scoped3A : memref<!tpu.dma_semaphore, #tpu.memory_space<semaphore_mem>>)
        %dma_wait3A = arith.constant 0 : i32
        %dma_wait3A_23 = tpu.memref_slice %arg10[%dma_wait3A, %mul3A_19] : memref<1x1000000xf32, #tpu.memory_space<vmem_shared>> -> memref<1x124928xf32, #tpu.memory_space<vmem_shared>>
        %dma_wait3A_24 = arith.constant 0 : i32
        %dma_wait3A_25 = tpu.memref_slice %arg4[%dma_wait3A_24, %mul3A_19] : memref<1x1000000xf32, #tpu.memory_space<hbm>> -> memref<1x124928xf32, #tpu.memory_space<hbm>>
        tpu.wait_dma2 semaphore(%run_scoped3A : memref<!tpu.dma_semaphore, #tpu.memory_space<semaphore_mem>>) src(%dma_wait3A_25 : memref<1x124928xf32, #tpu.memory_space<hbm>>) dst(%dma_wait3A_23 : memref<1x124928xf32, #tpu.memory_space<vmem_shared>>)
        tpu.yield
      }) : () -> ()
    } else {
    }
    %eq3A = arith.constant 7 : i32
    %eq3A_5 = arith.cmpi eq, %arg1, %eq3A : i32
    %convert_element_type3A_6 = arith.extui %eq3A_5 : i1 to i32
    %cond3A_7 = arith.constant 0 : i32
    %cond3A_8 = arith.cmpi ne, %convert_element_type3A_6, %cond3A_7 : i32
    scf.if %cond3A_8 {
      "tpu.region"() ({
        %run_scoped3A = tpu.sem_alloc : memref<!tpu.dma_semaphore, #tpu.memory_space<semaphore_mem>>
        %dma_start3A = arith.constant 0 : i32
        %dma_start3A_18 = arith.constant 874496 : i32
        %dma_start3A_19 = tpu.memref_slice %arg10[%dma_start3A, %dma_start3A_18] : memref<1x1000000xf32, #tpu.memory_space<vmem_shared>> -> memref<1x125504xf32, #tpu.memory_space<vmem_shared>>
        %dma_start3A_20 = arith.constant 0 : i32
        %dma_start3A_21 = arith.constant 874496 : i32
        %dma_start3A_22 = tpu.memref_slice %arg4[%dma_start3A_20, %dma_start3A_21] : memref<1x1000000xf32, #tpu.memory_space<hbm>> -> memref<1x125504xf32, #tpu.memory_space<hbm>>
        tpu.enqueue_dma source(%dma_start3A_22 : memref<1x125504xf32, #tpu.memory_space<hbm>>) target(%dma_start3A_19 : memref<1x125504xf32, #tpu.memory_space<vmem_shared>>) target_semaphore(%run_scoped3A : memref<!tpu.dma_semaphore, #tpu.memory_space<semaphore_mem>>)
        %dma_wait3A = arith.constant 0 : i32
        %dma_wait3A_23 = arith.constant 874496 : i32
        %dma_wait3A_24 = tpu.memref_slice %arg10[%dma_wait3A, %dma_wait3A_23] : memref<1x1000000xf32, #tpu.memory_space<vmem_shared>> -> memref<1x125504xf32, #tpu.memory_space<vmem_shared>>
        %dma_wait3A_25 = arith.constant 0 : i32
        %dma_wait3A_26 = arith.constant 874496 : i32
        %dma_wait3A_27 = tpu.memref_slice %arg4[%dma_wait3A_25, %dma_wait3A_26] : memref<1x1000000xf32, #tpu.memory_space<hbm>> -> memref<1x125504xf32, #tpu.memory_space<hbm>>
        tpu.wait_dma2 semaphore(%run_scoped3A : memref<!tpu.dma_semaphore, #tpu.memory_space<semaphore_mem>>) src(%dma_wait3A_27 : memref<1x125504xf32, #tpu.memory_space<hbm>>) dst(%dma_wait3A_24 : memref<1x125504xf32, #tpu.memory_space<vmem_shared>>)
        tpu.yield
      }) : () -> ()
    } else {
    }
    "tpu.region"() ({
      %run_scoped3A = tpu.sem_alloc : memref<!tpu.dma_semaphore, #tpu.memory_space<semaphore_mem>>
      %dma_start3A = arith.constant 0 : i32
      %dma_start3A_18 = tpu.memref_slice %arg2[%dma_start3A, %mul3A_2] : memref<26x16384xi32, #tpu.memory_space<hbm>> -> memref<26x512xi32, #tpu.memory_space<hbm>>
      %dma_start3A_19 = arith.constant 0 : i32
      %dma_start3A_20 = tpu.memref_slice %arg2[%dma_start3A_19, %mul3A_2] : memref<26x16384xi32, #tpu.memory_space<hbm>> -> memref<26x512xi32, #tpu.memory_space<hbm>>
      tpu.enqueue_dma source(%dma_start3A_20 : memref<26x512xi32, #tpu.memory_space<hbm>>) target(%arg6 : memref<26x512xi32, #tpu.memory_space<vmem>>) target_semaphore(%run_scoped3A : memref<!tpu.dma_semaphore, #tpu.memory_space<semaphore_mem>>)
      %dma_wait3A = arith.constant 0 : i32
      %dma_wait3A_21 = tpu.memref_slice %arg2[%dma_wait3A, %mul3A_2] : memref<26x16384xi32, #tpu.memory_space<hbm>> -> memref<26x512xi32, #tpu.memory_space<hbm>>
      %dma_wait3A_22 = arith.constant 0 : i32
      %dma_wait3A_23 = tpu.memref_slice %arg2[%dma_wait3A_22, %mul3A_2] : memref<26x16384xi32, #tpu.memory_space<hbm>> -> memref<26x512xi32, #tpu.memory_space<hbm>>
      tpu.wait_dma2 semaphore(%run_scoped3A : memref<!tpu.dma_semaphore, #tpu.memory_space<semaphore_mem>>) src(%dma_wait3A_23 : memref<26x512xi32, #tpu.memory_space<hbm>>) dst(%arg6 : memref<26x512xi32, #tpu.memory_space<vmem>>)
      tpu.yield
    }) : () -> ()
    "tpu.region"() ({
      %run_scoped3A = tpu.sem_alloc : memref<!tpu.dma_semaphore, #tpu.memory_space<semaphore_mem>>
      %dma_start3A = arith.constant 0 : i32
      %dma_start3A_18 = tpu.memref_slice %arg3[%dma_start3A, %mul3A_2] : memref<26x16384xf32, #tpu.memory_space<hbm>> -> memref<26x512xf32, #tpu.memory_space<hbm>>
      %dma_start3A_19 = arith.constant 0 : i32
      %dma_start3A_20 = tpu.memref_slice %arg3[%dma_start3A_19, %mul3A_2] : memref<26x16384xf32, #tpu.memory_space<hbm>> -> memref<26x512xf32, #tpu.memory_space<hbm>>
      tpu.enqueue_dma source(%dma_start3A_20 : memref<26x512xf32, #tpu.memory_space<hbm>>) target(%arg7 : memref<26x512xf32, #tpu.memory_space<vmem>>) target_semaphore(%run_scoped3A : memref<!tpu.dma_semaphore, #tpu.memory_space<semaphore_mem>>)
      %dma_wait3A = arith.constant 0 : i32
      %dma_wait3A_21 = tpu.memref_slice %arg3[%dma_wait3A, %mul3A_2] : memref<26x16384xf32, #tpu.memory_space<hbm>> -> memref<26x512xf32, #tpu.memory_space<hbm>>
      %dma_wait3A_22 = arith.constant 0 : i32
      %dma_wait3A_23 = tpu.memref_slice %arg3[%dma_wait3A_22, %mul3A_2] : memref<26x16384xf32, #tpu.memory_space<hbm>> -> memref<26x512xf32, #tpu.memory_space<hbm>>
      tpu.wait_dma2 semaphore(%run_scoped3A : memref<!tpu.dma_semaphore, #tpu.memory_space<semaphore_mem>>) src(%dma_wait3A_23 : memref<26x512xf32, #tpu.memory_space<hbm>>) dst(%arg7 : memref<26x512xf32, #tpu.memory_space<vmem>>)
      tpu.yield
    }) : () -> ()
    %barrier3A = arith.constant 0 : index
    tpu.barrier barrier_id(%barrier3A)
    %scan3A = arith.constant 0 : i32
    %scan3A_9 = arith.constant 136 : i32
    %scan3A_10 = arith.addi %scan3A, %scan3A_9 : i32
    %scan3A_11 = arith.constant 1 : i32
    scf.for %scan3A_18 = %scan3A to %scan3A_10 step %scan3A_11  : i32 {
      %mul3A_19 = arith.constant 1 : i32
      %mul3A_20 = arith.muli %scan3A_18, %mul3A_19 : i32
      %add3A_21 = arith.constant 0 : i32
      %add3A_22 = arith.addi %add3A_21, %mul3A_20 : i32
      %lt3A_23 = arith.constant 104 : i32
      %lt3A_24 = arith.cmpi slt, %add3A_22, %lt3A_23 : i32
      %convert_element_type3A_25 = arith.extui %lt3A_24 : i1 to i32
      %cond3A_26 = arith.constant 0 : i32
      %cond3A_27 = arith.cmpi ne, %convert_element_type3A_25, %cond3A_26 : i32
      scf.if %cond3A_27 {
        %jit3A = arith.constant 4 : i32
        %div3A = arith.divsi %add3A_22, %jit3A : i32
        %sign3A = arith.constant 0 : i32
        %sign3A_32 = arith.cmpi sgt, %add3A_22, %sign3A : i32
        %sign3A_33 = arith.extui %sign3A_32 : i1 to i32
        %sign3A_34 = arith.constant 0 : i32
        %sign3A_35 = arith.cmpi slt, %add3A_22, %sign3A_34 : i32
        %sign3A_36 = arith.extui %sign3A_35 : i1 to i32
        %sign3A_37 = arith.subi %sign3A_33, %sign3A_36 : i32
        %sign3A_38 = arith.constant 0 : i32
        %sign3A_39 = arith.cmpi sgt, %jit3A, %sign3A_38 : i32
        %sign3A_40 = arith.extui %sign3A_39 : i1 to i32
        %sign3A_41 = arith.constant 0 : i32
        %sign3A_42 = arith.cmpi slt, %jit3A, %sign3A_41 : i32
        %sign3A_43 = arith.extui %sign3A_42 : i1 to i32
        %sign3A_44 = arith.subi %sign3A_40, %sign3A_43 : i32
        %ne3A = arith.cmpi ne, %sign3A_37, %sign3A_44 : i32
        %rem3A = arith.remsi %add3A_22, %jit3A : i32
        %ne3A_45 = arith.constant 0 : i32
        %ne3A_46 = arith.cmpi ne, %rem3A, %ne3A_45 : i32
        %and3A = arith.andi %ne3A, %ne3A_46 : i1
        %sub3A = arith.constant 1 : i32
        %sub3A_47 = arith.subi %div3A, %sub3A : i32
        %select_n3A = arith.select %and3A, %sub3A_47, %div3A : i32
        %jit3A_48 = arith.constant 4 : i32
        %eq3A_49 = arith.constant 0 : i32
        %eq3A_50 = arith.cmpi eq, %jit3A_48, %eq3A_49 : i32
        %jit3A_51 = arith.constant 1 : i32
        %select_n3A_52 = arith.select %eq3A_50, %jit3A_51, %jit3A_48 : i32
        %rem3A_53 = arith.remsi %add3A_22, %select_n3A_52 : i32
        %ne3A_54 = arith.constant 0 : i32
        %ne3A_55 = arith.cmpi ne, %rem3A_53, %ne3A_54 : i32
        %lt3A_56 = arith.constant 0 : i32
        %lt3A_57 = arith.cmpi slt, %rem3A_53, %lt3A_56 : i32
        %lt3A_58 = arith.constant 0 : i32
        %lt3A_59 = arith.cmpi slt, %select_n3A_52, %lt3A_58 : i32
        %ne3A_60 = arith.xori %lt3A_57, %lt3A_59 : i1
        %and3A_61 = arith.andi %ne3A_60, %ne3A_55 : i1
        %add3A_62 = arith.addi %rem3A_53, %select_n3A_52 : i32
        %select_n3A_63 = arith.select %and3A_61, %add3A_62, %rem3A_53 : i32
        %mul3A_64 = arith.constant 128 : i32
        %mul3A_65 = arith.muli %select_n3A_63, %mul3A_64 : i32
        %dma_start3A = tpu.memref_slice %arg8[%select_n3A, %mul3A_65] : memref<26x512xf32, #tpu.memory_space<vmem>> -> memref<1x128xf32, #tpu.memory_space<vmem>>
        %dma_start3A_66 = tpu.memref_slice %arg6[%select_n3A, %mul3A_65] : memref<26x512xi32, #tpu.memory_space<vmem>> -> memref<1x128xi32, #tpu.memory_space<vmem>>
        %dma_start3A_67 = arith.constant 0 : i32
        %dma_start3A_68 = arith.constant 0 : i32
        %dma_start3A_69 = tpu.memref_slice %arg10[%dma_start3A_67, %dma_start3A_68] : memref<1x1000000xf32, #tpu.memory_space<vmem_shared>> -> memref<1x1000000xf32, #tpu.memory_space<vmem_shared>>
        tpu.enqueue_indirect_dma source(%dma_start3A_69 : memref<1x1000000xf32, #tpu.memory_space<vmem_shared>>) target(%dma_start3A : memref<1x128xf32, #tpu.memory_space<vmem>>) offsets(%dma_start3A_66 : memref<1x128xi32, #tpu.memory_space<vmem>>) semaphore(%arg11 : memref<!tpu.dma_semaphore, #tpu.memory_space<semaphore_mem>>)
      } else {
      }
      %ge3A = arith.constant 32 : i32
      %ge3A_28 = arith.cmpi sge, %add3A_22, %ge3A : i32
      %convert_element_type3A_29 = arith.extui %ge3A_28 : i1 to i32
      %cond3A_30 = arith.constant 0 : i32
      %cond3A_31 = arith.cmpi ne, %convert_element_type3A_29, %cond3A_30 : i32
      scf.if %cond3A_31 {
        %sub3A = arith.constant 32 : i32
        %sub3A_32 = arith.subi %add3A_22, %sub3A : i32
        %jit3A = arith.constant 4 : i32
        %div3A = arith.divsi %sub3A_32, %jit3A : i32
        %sign3A = arith.constant 0 : i32
        %sign3A_33 = arith.cmpi sgt, %sub3A_32, %sign3A : i32
        %sign3A_34 = arith.extui %sign3A_33 : i1 to i32
        %sign3A_35 = arith.constant 0 : i32
        %sign3A_36 = arith.cmpi slt, %sub3A_32, %sign3A_35 : i32
        %sign3A_37 = arith.extui %sign3A_36 : i1 to i32
        %sign3A_38 = arith.subi %sign3A_34, %sign3A_37 : i32
        %sign3A_39 = arith.constant 0 : i32
        %sign3A_40 = arith.cmpi sgt, %jit3A, %sign3A_39 : i32
        %sign3A_41 = arith.extui %sign3A_40 : i1 to i32
        %sign3A_42 = arith.constant 0 : i32
        %sign3A_43 = arith.cmpi slt, %jit3A, %sign3A_42 : i32
        %sign3A_44 = arith.extui %sign3A_43 : i1 to i32
        %sign3A_45 = arith.subi %sign3A_41, %sign3A_44 : i32
        %ne3A = arith.cmpi ne, %sign3A_38, %sign3A_45 : i32
        %rem3A = arith.remsi %sub3A_32, %jit3A : i32
        %ne3A_46 = arith.constant 0 : i32
        %ne3A_47 = arith.cmpi ne, %rem3A, %ne3A_46 : i32
        %and3A = arith.andi %ne3A, %ne3A_47 : i1
        %sub3A_48 = arith.constant 1 : i32
        %sub3A_49 = arith.subi %div3A, %sub3A_48 : i32
        %select_n3A = arith.select %and3A, %sub3A_49, %div3A : i32
        %jit3A_50 = arith.constant 4 : i32
        %eq3A_51 = arith.constant 0 : i32
        %eq3A_52 = arith.cmpi eq, %jit3A_50, %eq3A_51 : i32
        %jit3A_53 = arith.constant 1 : i32
        %select_n3A_54 = arith.select %eq3A_52, %jit3A_53, %jit3A_50 : i32
        %rem3A_55 = arith.remsi %sub3A_32, %select_n3A_54 : i32
        %ne3A_56 = arith.constant 0 : i32
        %ne3A_57 = arith.cmpi ne, %rem3A_55, %ne3A_56 : i32
        %lt3A_58 = arith.constant 0 : i32
        %lt3A_59 = arith.cmpi slt, %rem3A_55, %lt3A_58 : i32
        %lt3A_60 = arith.constant 0 : i32
        %lt3A_61 = arith.cmpi slt, %select_n3A_54, %lt3A_60 : i32
        %ne3A_62 = arith.xori %lt3A_59, %lt3A_61 : i1
        %and3A_63 = arith.andi %ne3A_62, %ne3A_57 : i1
        %add3A_64 = arith.addi %rem3A_55, %select_n3A_54 : i32
        %select_n3A_65 = arith.select %and3A_63, %add3A_64, %rem3A_55 : i32
        %mul3A_66 = arith.constant 128 : i32
        %mul3A_67 = arith.muli %select_n3A_65, %mul3A_66 : i32
        %dma_wait3A = tpu.memref_slice %arg8[%select_n3A, %mul3A_67] : memref<26x512xf32, #tpu.memory_space<vmem>> -> memref<1x128xf32, #tpu.memory_space<vmem>>
        %dma_wait3A_68 = tpu.memref_slice %arg6[%select_n3A, %mul3A_67] : memref<26x512xi32, #tpu.memory_space<vmem>> -> memref<1x128xi32, #tpu.memory_space<vmem>>
        %dma_wait3A_69 = arith.constant 0 : i32
        %dma_wait3A_70 = arith.constant 0 : i32
        %dma_wait3A_71 = tpu.memref_slice %arg10[%dma_wait3A_69, %dma_wait3A_70] : memref<1x1000000xf32, #tpu.memory_space<vmem_shared>> -> memref<1x1000000xf32, #tpu.memory_space<vmem_shared>>
        tpu.wait_indirect_dma semaphore(%arg11 : memref<!tpu.dma_semaphore, #tpu.memory_space<semaphore_mem>>) src(%dma_wait3A_71 : memref<1x1000000xf32, #tpu.memory_space<vmem_shared>>) dst(%dma_wait3A : memref<1x128xf32, #tpu.memory_space<vmem>>)
      } else {
      }
    }
    %scan3A_12 = arith.constant 136 : i32
    %scan3A_13 = arith.constant 0 : i32
    %scan3A_14 = arith.constant 32 : i32
    %scan3A_15 = arith.addi %scan3A_13, %scan3A_14 : i32
    %scan3A_16 = arith.constant 1 : i32
    scf.for %scan3A_18 = %scan3A_13 to %scan3A_15 step %scan3A_16  : i32 {
      %mul3A_19 = arith.constant 1 : i32
      %mul3A_20 = arith.muli %scan3A_18, %mul3A_19 : i32
      %add3A_21 = arith.constant 0 : i32
      %add3A_22 = arith.addi %add3A_21, %mul3A_20 : i32
      %mul3A_23 = arith.constant 16 : i32
      %mul3A_24 = arith.muli %add3A_22, %mul3A_23 : i32
      %broadcast_in_dim3A = arith.constant 0.000000e+00 : f32
      %broadcast_in_dim3A_25 = vector.broadcast %broadcast_in_dim3A : f32 to vector<16xf32>
      %get3A = arith.constant 0 : i32
      %get3A_26 = arith.index_cast %get3A : i32 to index
      %get3A_27 = arith.index_cast %mul3A_24 : i32 to index
      %get3A_28 = tpu.vector_load %arg8[%get3A_26, %get3A_27] {strides = array<i32>} : memref<26x512xf32, #tpu.memory_space<vmem>>, vector<1x16xf32>,
      %get3A_29 = vector.shape_cast %get3A_28 : vector<1x16xf32> to vector<16xf32>
      %get3A_30 = arith.constant 0 : i32
      %get3A_31 = arith.index_cast %get3A_30 : i32 to index
      %get3A_32 = arith.index_cast %mul3A_24 : i32 to index
      %get3A_33 = tpu.vector_load %arg7[%get3A_31, %get3A_32] {strides = array<i32>} : memref<26x512xf32, #tpu.memory_space<vmem>>, vector<1x16xf32>,
      %get3A_34 = vector.shape_cast %get3A_33 : vector<1x16xf32> to vector<16xf32>
      %mul3A_35 = arith.mulf %get3A_29, %get3A_34 : vector<16xf32>
      %add3A_36 = arith.addf %broadcast_in_dim3A_25, %mul3A_35 : vector<16xf32>
      %get3A_37 = arith.constant 1 : i32
      %get3A_38 = arith.index_cast %get3A_37 : i32 to index
      %get3A_39 = arith.index_cast %mul3A_24 : i32 to index
      %get3A_40 = tpu.vector_load %arg8[%get3A_38, %get3A_39] {strides = array<i32>} : memref<26x512xf32, #tpu.memory_space<vmem>>, vector<1x16xf32>,
      %get3A_41 = vector.shape_cast %get3A_40 : vector<1x16xf32> to vector<16xf32>
      %get3A_42 = arith.constant 1 : i32
      %get3A_43 = arith.index_cast %get3A_42 : i32 to index
      %get3A_44 = arith.index_cast %mul3A_24 : i32 to index
      %get3A_45 = tpu.vector_load %arg7[%get3A_43, %get3A_44] {strides = array<i32>} : memref<26x512xf32, #tpu.memory_space<vmem>>, vector<1x16xf32>,
      %get3A_46 = vector.shape_cast %get3A_45 : vector<1x16xf32> to vector<16xf32>
      %mul3A_47 = arith.mulf %get3A_41, %get3A_46 : vector<16xf32>
      %add3A_48 = arith.addf %add3A_36, %mul3A_47 : vector<16xf32>
      %get3A_49 = arith.constant 2 : i32
      %get3A_50 = arith.index_cast %get3A_49 : i32 to index
      %get3A_51 = arith.index_cast %mul3A_24 : i32 to index
      %get3A_52 = tpu.vector_load %arg8[%get3A_50, %get3A_51] {strides = array<i32>} : memref<26x512xf32, #tpu.memory_space<vmem>>, vector<1x16xf32>,
      %get3A_53 = vector.shape_cast %get3A_52 : vector<1x16xf32> to vector<16xf32>
      %get3A_54 = arith.constant 2 : i32
      %get3A_55 = arith.index_cast %get3A_54 : i32 to index
      %get3A_56 = arith.index_cast %mul3A_24 : i32 to index
      %get3A_57 = tpu.vector_load %arg7[%get3A_55, %get3A_56] {strides = array<i32>} : memref<26x512xf32, #tpu.memory_space<vmem>>, vector<1x16xf32>,
      %get3A_58 = vector.shape_cast %get3A_57 : vector<1x16xf32> to vector<16xf32>
      %mul3A_59 = arith.mulf %get3A_53, %get3A_58 : vector<16xf32>
      %add3A_60 = arith.addf %add3A_48, %mul3A_59 : vector<16xf32>
      %get3A_61 = arith.constant 3 : i32
      %get3A_62 = arith.index_cast %get3A_61 : i32 to index
      %get3A_63 = arith.index_cast %mul3A_24 : i32 to index
      %get3A_64 = tpu.vector_load %arg8[%get3A_62, %get3A_63] {strides = array<i32>} : memref<26x512xf32, #tpu.memory_space<vmem>>, vector<1x16xf32>,
      %get3A_65 = vector.shape_cast %get3A_64 : vector<1x16xf32> to vector<16xf32>
      %get3A_66 = arith.constant 3 : i32
      %get3A_67 = arith.index_cast %get3A_66 : i32 to index
      %get3A_68 = arith.index_cast %mul3A_24 : i32 to index
      %get3A_69 = tpu.vector_load %arg7[%get3A_67, %get3A_68] {strides = array<i32>} : memref<26x512xf32, #tpu.memory_space<vmem>>, vector<1x16xf32>,
      %get3A_70 = vector.shape_cast %get3A_69 : vector<1x16xf32> to vector<16xf32>
      %mul3A_71 = arith.mulf %get3A_65, %get3A_70 : vector<16xf32>
      %add3A_72 = arith.addf %add3A_60, %mul3A_71 : vector<16xf32>
      %get3A_73 = arith.constant 4 : i32
      %get3A_74 = arith.index_cast %get3A_73 : i32 to index
      %get3A_75 = arith.index_cast %mul3A_24 : i32 to index
      %get3A_76 = tpu.vector_load %arg8[%get3A_74, %get3A_75] {strides = array<i32>} : memref<26x512xf32, #tpu.memory_space<vmem>>, vector<1x16xf32>,
      %get3A_77 = vector.shape_cast %get3A_76 : vector<1x16xf32> to vector<16xf32>
      %get3A_78 = arith.constant 4 : i32
      %get3A_79 = arith.index_cast %get3A_78 : i32 to index
      %get3A_80 = arith.index_cast %mul3A_24 : i32 to index
      %get3A_81 = tpu.vector_load %arg7[%get3A_79, %get3A_80] {strides = array<i32>} : memref<26x512xf32, #tpu.memory_space<vmem>>, vector<1x16xf32>,
      %get3A_82 = vector.shape_cast %get3A_81 : vector<1x16xf32> to vector<16xf32>
      %mul3A_83 = arith.mulf %get3A_77, %get3A_82 : vector<16xf32>
      %add3A_84 = arith.addf %add3A_72, %mul3A_83 : vector<16xf32>
      %get3A_85 = arith.constant 5 : i32
      %get3A_86 = arith.index_cast %get3A_85 : i32 to index
      %get3A_87 = arith.index_cast %mul3A_24 : i32 to index
      %get3A_88 = tpu.vector_load %arg8[%get3A_86, %get3A_87] {strides = array<i32>} : memref<26x512xf32, #tpu.memory_space<vmem>>, vector<1x16xf32>,
      %get3A_89 = vector.shape_cast %get3A_88 : vector<1x16xf32> to vector<16xf32>
      %get3A_90 = arith.constant 5 : i32
      %get3A_91 = arith.index_cast %get3A_90 : i32 to index
      %get3A_92 = arith.index_cast %mul3A_24 : i32 to index
      %get3A_93 = tpu.vector_load %arg7[%get3A_91, %get3A_92] {strides = array<i32>} : memref<26x512xf32, #tpu.memory_space<vmem>>, vector<1x16xf32>,
      %get3A_94 = vector.shape_cast %get3A_93 : vector<1x16xf32> to vector<16xf32>
      %mul3A_95 = arith.mulf %get3A_89, %get3A_94 : vector<16xf32>
      %add3A_96 = arith.addf %add3A_84, %mul3A_95 : vector<16xf32>
      %get3A_97 = arith.constant 6 : i32
      %get3A_98 = arith.index_cast %get3A_97 : i32 to index
      %get3A_99 = arith.index_cast %mul3A_24 : i32 to index
      %get3A_100 = tpu.vector_load %arg8[%get3A_98, %get3A_99] {strides = array<i32>} : memref<26x512xf32, #tpu.memory_space<vmem>>, vector<1x16xf32>,
      %get3A_101 = vector.shape_cast %get3A_100 : vector<1x16xf32> to vector<16xf32>
      %get3A_102 = arith.constant 6 : i32
      %get3A_103 = arith.index_cast %get3A_102 : i32 to index
      %get3A_104 = arith.index_cast %mul3A_24 : i32 to index
      %get3A_105 = tpu.vector_load %arg7[%get3A_103, %get3A_104] {strides = array<i32>} : memref<26x512xf32, #tpu.memory_space<vmem>>, vector<1x16xf32>,
      %get3A_106 = vector.shape_cast %get3A_105 : vector<1x16xf32> to vector<16xf32>
      %mul3A_107 = arith.mulf %get3A_101, %get3A_106 : vector<16xf32>
      %add3A_108 = arith.addf %add3A_96, %mul3A_107 : vector<16xf32>
      %get3A_109 = arith.constant 7 : i32
      %get3A_110 = arith.index_cast %get3A_109 : i32 to index
      %get3A_111 = arith.index_cast %mul3A_24 : i32 to index
      %get3A_112 = tpu.vector_load %arg8[%get3A_110, %get3A_111] {strides = array<i32>} : memref<26x512xf32, #tpu.memory_space<vmem>>, vector<1x16xf32>,
      %get3A_113 = vector.shape_cast %get3A_112 : vector<1x16xf32> to vector<16xf32>
      %get3A_114 = arith.constant 7 : i32
      %get3A_115 = arith.index_cast %get3A_114 : i32 to index
      %get3A_116 = arith.index_cast %mul3A_24 : i32 to index
      %get3A_117 = tpu.vector_load %arg7[%get3A_115, %get3A_116] {strides = array<i32>} : memref<26x512xf32, #tpu.memory_space<vmem>>, vector<1x16xf32>,
      %get3A_118 = vector.shape_cast %get3A_117 : vector<1x16xf32> to vector<16xf32>
      %mul3A_119 = arith.mulf %get3A_113, %get3A_118 : vector<16xf32>
      %add3A_120 = arith.addf %add3A_108, %mul3A_119 : vector<16xf32>
      %get3A_121 = arith.constant 8 : i32
      %get3A_122 = arith.index_cast %get3A_121 : i32 to index
      %get3A_123 = arith.index_cast %mul3A_24 : i32 to index
      %get3A_124 = tpu.vector_load %arg8[%get3A_122, %get3A_123] {strides = array<i32>} : memref<26x512xf32, #tpu.memory_space<vmem>>, vector<1x16xf32>,
      %get3A_125 = vector.shape_cast %get3A_124 : vector<1x16xf32> to vector<16xf32>
      %get3A_126 = arith.constant 8 : i32
      %get3A_127 = arith.index_cast %get3A_126 : i32 to index
      %get3A_128 = arith.index_cast %mul3A_24 : i32 to index
      %get3A_129 = tpu.vector_load %arg7[%get3A_127, %get3A_128] {strides = array<i32>} : memref<26x512xf32, #tpu.memory_space<vmem>>, vector<1x16xf32>,
      %get3A_130 = vector.shape_cast %get3A_129 : vector<1x16xf32> to vector<16xf32>
      %mul3A_131 = arith.mulf %get3A_125, %get3A_130 : vector<16xf32>
      %add3A_132 = arith.addf %add3A_120, %mul3A_131 : vector<16xf32>
      %get3A_133 = arith.constant 9 : i32
      %get3A_134 = arith.index_cast %get3A_133 : i32 to index
      %get3A_135 = arith.index_cast %mul3A_24 : i32 to index
      %get3A_136 = tpu.vector_load %arg8[%get3A_134, %get3A_135] {strides = array<i32>} : memref<26x512xf32, #tpu.memory_space<vmem>>, vector<1x16xf32>,
      %get3A_137 = vector.shape_cast %get3A_136 : vector<1x16xf32> to vector<16xf32>
      %get3A_138 = arith.constant 9 : i32
      %get3A_139 = arith.index_cast %get3A_138 : i32 to index
      %get3A_140 = arith.index_cast %mul3A_24 : i32 to index
      %get3A_141 = tpu.vector_load %arg7[%get3A_139, %get3A_140] {strides = array<i32>} : memref<26x512xf32, #tpu.memory_space<vmem>>, vector<1x16xf32>,
      %get3A_142 = vector.shape_cast %get3A_141 : vector<1x16xf32> to vector<16xf32>
      %mul3A_143 = arith.mulf %get3A_137, %get3A_142 : vector<16xf32>
      %add3A_144 = arith.addf %add3A_132, %mul3A_143 : vector<16xf32>
      %get3A_145 = arith.constant 10 : i32
      %get3A_146 = arith.index_cast %get3A_145 : i32 to index
      %get3A_147 = arith.index_cast %mul3A_24 : i32 to index
      %get3A_148 = tpu.vector_load %arg8[%get3A_146, %get3A_147] {strides = array<i32>} : memref<26x512xf32, #tpu.memory_space<vmem>>, vector<1x16xf32>,
      %get3A_149 = vector.shape_cast %get3A_148 : vector<1x16xf32> to vector<16xf32>
      %get3A_150 = arith.constant 10 : i32
      %get3A_151 = arith.index_cast %get3A_150 : i32 to index
      %get3A_152 = arith.index_cast %mul3A_24 : i32 to index
      %get3A_153 = tpu.vector_load %arg7[%get3A_151, %get3A_152] {strides = array<i32>} : memref<26x512xf32, #tpu.memory_space<vmem>>, vector<1x16xf32>,
      %get3A_154 = vector.shape_cast %get3A_153 : vector<1x16xf32> to vector<16xf32>
      %mul3A_155 = arith.mulf %get3A_149, %get3A_154 : vector<16xf32>
      %add3A_156 = arith.addf %add3A_144, %mul3A_155 : vector<16xf32>
      %get3A_157 = arith.constant 11 : i32
      %get3A_158 = arith.index_cast %get3A_157 : i32 to index
      %get3A_159 = arith.index_cast %mul3A_24 : i32 to index
      %get3A_160 = tpu.vector_load %arg8[%get3A_158, %get3A_159] {strides = array<i32>} : memref<26x512xf32, #tpu.memory_space<vmem>>, vector<1x16xf32>,
      %get3A_161 = vector.shape_cast %get3A_160 : vector<1x16xf32> to vector<16xf32>
      %get3A_162 = arith.constant 11 : i32
      %get3A_163 = arith.index_cast %get3A_162 : i32 to index
      %get3A_164 = arith.index_cast %mul3A_24 : i32 to index
      %get3A_165 = tpu.vector_load %arg7[%get3A_163, %get3A_164] {strides = array<i32>} : memref<26x512xf32, #tpu.memory_space<vmem>>, vector<1x16xf32>,
      %get3A_166 = vector.shape_cast %get3A_165 : vector<1x16xf32> to vector<16xf32>
      %mul3A_167 = arith.mulf %get3A_161, %get3A_166 : vector<16xf32>
      %add3A_168 = arith.addf %add3A_156, %mul3A_167 : vector<16xf32>
      %get3A_169 = arith.constant 12 : i32
      %get3A_170 = arith.index_cast %get3A_169 : i32 to index
      %get3A_171 = arith.index_cast %mul3A_24 : i32 to index
      %get3A_172 = tpu.vector_load %arg8[%get3A_170, %get3A_171] {strides = array<i32>} : memref<26x512xf32, #tpu.memory_space<vmem>>, vector<1x16xf32>,
      %get3A_173 = vector.shape_cast %get3A_172 : vector<1x16xf32> to vector<16xf32>
      %get3A_174 = arith.constant 12 : i32
      %get3A_175 = arith.index_cast %get3A_174 : i32 to index
      %get3A_176 = arith.index_cast %mul3A_24 : i32 to index
      %get3A_177 = tpu.vector_load %arg7[%get3A_175, %get3A_176] {strides = array<i32>} : memref<26x512xf32, #tpu.memory_space<vmem>>, vector<1x16xf32>,
      %get3A_178 = vector.shape_cast %get3A_177 : vector<1x16xf32> to vector<16xf32>
      %mul3A_179 = arith.mulf %get3A_173, %get3A_178 : vector<16xf32>
      %add3A_180 = arith.addf %add3A_168, %mul3A_179 : vector<16xf32>
      %get3A_181 = arith.constant 13 : i32
      %get3A_182 = arith.index_cast %get3A_181 : i32 to index
      %get3A_183 = arith.index_cast %mul3A_24 : i32 to index
      %get3A_184 = tpu.vector_load %arg8[%get3A_182, %get3A_183] {strides = array<i32>} : memref<26x512xf32, #tpu.memory_space<vmem>>, vector<1x16xf32>,
      %get3A_185 = vector.shape_cast %get3A_184 : vector<1x16xf32> to vector<16xf32>
      %get3A_186 = arith.constant 13 : i32
      %get3A_187 = arith.index_cast %get3A_186 : i32 to index
      %get3A_188 = arith.index_cast %mul3A_24 : i32 to index
      %get3A_189 = tpu.vector_load %arg7[%get3A_187, %get3A_188] {strides = array<i32>} : memref<26x512xf32, #tpu.memory_space<vmem>>, vector<1x16xf32>,
      %get3A_190 = vector.shape_cast %get3A_189 : vector<1x16xf32> to vector<16xf32>
      %mul3A_191 = arith.mulf %get3A_185, %get3A_190 : vector<16xf32>
      %add3A_192 = arith.addf %add3A_180, %mul3A_191 : vector<16xf32>
      %get3A_193 = arith.constant 14 : i32
      %get3A_194 = arith.index_cast %get3A_193 : i32 to index
      %get3A_195 = arith.index_cast %mul3A_24 : i32 to index
      %get3A_196 = tpu.vector_load %arg8[%get3A_194, %get3A_195] {strides = array<i32>} : memref<26x512xf32, #tpu.memory_space<vmem>>, vector<1x16xf32>,
      %get3A_197 = vector.shape_cast %get3A_196 : vector<1x16xf32> to vector<16xf32>
      %get3A_198 = arith.constant 14 : i32
      %get3A_199 = arith.index_cast %get3A_198 : i32 to index
      %get3A_200 = arith.index_cast %mul3A_24 : i32 to index
      %get3A_201 = tpu.vector_load %arg7[%get3A_199, %get3A_200] {strides = array<i32>} : memref<26x512xf32, #tpu.memory_space<vmem>>, vector<1x16xf32>,
      %get3A_202 = vector.shape_cast %get3A_201 : vector<1x16xf32> to vector<16xf32>
      %mul3A_203 = arith.mulf %get3A_197, %get3A_202 : vector<16xf32>
      %add3A_204 = arith.addf %add3A_192, %mul3A_203 : vector<16xf32>
      %get3A_205 = arith.constant 15 : i32
      %get3A_206 = arith.index_cast %get3A_205 : i32 to index
      %get3A_207 = arith.index_cast %mul3A_24 : i32 to index
      %get3A_208 = tpu.vector_load %arg8[%get3A_206, %get3A_207] {strides = array<i32>} : memref<26x512xf32, #tpu.memory_space<vmem>>, vector<1x16xf32>,
      %get3A_209 = vector.shape_cast %get3A_208 : vector<1x16xf32> to vector<16xf32>
      %get3A_210 = arith.constant 15 : i32
      %get3A_211 = arith.index_cast %get3A_210 : i32 to index
      %get3A_212 = arith.index_cast %mul3A_24 : i32 to index
      %get3A_213 = tpu.vector_load %arg7[%get3A_211, %get3A_212] {strides = array<i32>} : memref<26x512xf32, #tpu.memory_space<vmem>>, vector<1x16xf32>,
      %get3A_214 = vector.shape_cast %get3A_213 : vector<1x16xf32> to vector<16xf32>
      %mul3A_215 = arith.mulf %get3A_209, %get3A_214 : vector<16xf32>
      %add3A_216 = arith.addf %add3A_204, %mul3A_215 : vector<16xf32>
      %get3A_217 = arith.constant 16 : i32
      %get3A_218 = arith.index_cast %get3A_217 : i32 to index
      %get3A_219 = arith.index_cast %mul3A_24 : i32 to index
      %get3A_220 = tpu.vector_load %arg8[%get3A_218, %get3A_219] {strides = array<i32>} : memref<26x512xf32, #tpu.memory_space<vmem>>, vector<1x16xf32>,
      %get3A_221 = vector.shape_cast %get3A_220 : vector<1x16xf32> to vector<16xf32>
      %get3A_222 = arith.constant 16 : i32
      %get3A_223 = arith.index_cast %get3A_222 : i32 to index
      %get3A_224 = arith.index_cast %mul3A_24 : i32 to index
      %get3A_225 = tpu.vector_load %arg7[%get3A_223, %get3A_224] {strides = array<i32>} : memref<26x512xf32, #tpu.memory_space<vmem>>, vector<1x16xf32>,
      %get3A_226 = vector.shape_cast %get3A_225 : vector<1x16xf32> to vector<16xf32>
      %mul3A_227 = arith.mulf %get3A_221, %get3A_226 : vector<16xf32>
      %add3A_228 = arith.addf %add3A_216, %mul3A_227 : vector<16xf32>
      %get3A_229 = arith.constant 17 : i32
      %get3A_230 = arith.index_cast %get3A_229 : i32 to index
      %get3A_231 = arith.index_cast %mul3A_24 : i32 to index
      %get3A_232 = tpu.vector_load %arg8[%get3A_230, %get3A_231] {strides = array<i32>} : memref<26x512xf32, #tpu.memory_space<vmem>>, vector<1x16xf32>,
      %get3A_233 = vector.shape_cast %get3A_232 : vector<1x16xf32> to vector<16xf32>
      %get3A_234 = arith.constant 17 : i32
      %get3A_235 = arith.index_cast %get3A_234 : i32 to index
      %get3A_236 = arith.index_cast %mul3A_24 : i32 to index
      %get3A_237 = tpu.vector_load %arg7[%get3A_235, %get3A_236] {strides = array<i32>} : memref<26x512xf32, #tpu.memory_space<vmem>>, vector<1x16xf32>,
      %get3A_238 = vector.shape_cast %get3A_237 : vector<1x16xf32> to vector<16xf32>
      %mul3A_239 = arith.mulf %get3A_233, %get3A_238 : vector<16xf32>
      %add3A_240 = arith.addf %add3A_228, %mul3A_239 : vector<16xf32>
      %get3A_241 = arith.constant 18 : i32
      %get3A_242 = arith.index_cast %get3A_241 : i32 to index
      %get3A_243 = arith.index_cast %mul3A_24 : i32 to index
      %get3A_244 = tpu.vector_load %arg8[%get3A_242, %get3A_243] {strides = array<i32>} : memref<26x512xf32, #tpu.memory_space<vmem>>, vector<1x16xf32>,
      %get3A_245 = vector.shape_cast %get3A_244 : vector<1x16xf32> to vector<16xf32>
      %get3A_246 = arith.constant 18 : i32
      %get3A_247 = arith.index_cast %get3A_246 : i32 to index
      %get3A_248 = arith.index_cast %mul3A_24 : i32 to index
      %get3A_249 = tpu.vector_load %arg7[%get3A_247, %get3A_248] {strides = array<i32>} : memref<26x512xf32, #tpu.memory_space<vmem>>, vector<1x16xf32>,
      %get3A_250 = vector.shape_cast %get3A_249 : vector<1x16xf32> to vector<16xf32>
      %mul3A_251 = arith.mulf %get3A_245, %get3A_250 : vector<16xf32>
      %add3A_252 = arith.addf %add3A_240, %mul3A_251 : vector<16xf32>
      %get3A_253 = arith.constant 19 : i32
      %get3A_254 = arith.index_cast %get3A_253 : i32 to index
      %get3A_255 = arith.index_cast %mul3A_24 : i32 to index
      %get3A_256 = tpu.vector_load %arg8[%get3A_254, %get3A_255] {strides = array<i32>} : memref<26x512xf32, #tpu.memory_space<vmem>>, vector<1x16xf32>,
      %get3A_257 = vector.shape_cast %get3A_256 : vector<1x16xf32> to vector<16xf32>
      %get3A_258 = arith.constant 19 : i32
      %get3A_259 = arith.index_cast %get3A_258 : i32 to index
      %get3A_260 = arith.index_cast %mul3A_24 : i32 to index
      %get3A_261 = tpu.vector_load %arg7[%get3A_259, %get3A_260] {strides = array<i32>} : memref<26x512xf32, #tpu.memory_space<vmem>>, vector<1x16xf32>,
      %get3A_262 = vector.shape_cast %get3A_261 : vector<1x16xf32> to vector<16xf32>
      %mul3A_263 = arith.mulf %get3A_257, %get3A_262 : vector<16xf32>
      %add3A_264 = arith.addf %add3A_252, %mul3A_263 : vector<16xf32>
      %get3A_265 = arith.constant 20 : i32
      %get3A_266 = arith.index_cast %get3A_265 : i32 to index
      %get3A_267 = arith.index_cast %mul3A_24 : i32 to index
      %get3A_268 = tpu.vector_load %arg8[%get3A_266, %get3A_267] {strides = array<i32>} : memref<26x512xf32, #tpu.memory_space<vmem>>, vector<1x16xf32>,
      %get3A_269 = vector.shape_cast %get3A_268 : vector<1x16xf32> to vector<16xf32>
      %get3A_270 = arith.constant 20 : i32
      %get3A_271 = arith.index_cast %get3A_270 : i32 to index
      %get3A_272 = arith.index_cast %mul3A_24 : i32 to index
      %get3A_273 = tpu.vector_load %arg7[%get3A_271, %get3A_272] {strides = array<i32>} : memref<26x512xf32, #tpu.memory_space<vmem>>, vector<1x16xf32>,
      %get3A_274 = vector.shape_cast %get3A_273 : vector<1x16xf32> to vector<16xf32>
      %mul3A_275 = arith.mulf %get3A_269, %get3A_274 : vector<16xf32>
      %add3A_276 = arith.addf %add3A_264, %mul3A_275 : vector<16xf32>
      %get3A_277 = arith.constant 21 : i32
      %get3A_278 = arith.index_cast %get3A_277 : i32 to index
      %get3A_279 = arith.index_cast %mul3A_24 : i32 to index
      %get3A_280 = tpu.vector_load %arg8[%get3A_278, %get3A_279] {strides = array<i32>} : memref<26x512xf32, #tpu.memory_space<vmem>>, vector<1x16xf32>,
      %get3A_281 = vector.shape_cast %get3A_280 : vector<1x16xf32> to vector<16xf32>
      %get3A_282 = arith.constant 21 : i32
      %get3A_283 = arith.index_cast %get3A_282 : i32 to index
      %get3A_284 = arith.index_cast %mul3A_24 : i32 to index
      %get3A_285 = tpu.vector_load %arg7[%get3A_283, %get3A_284] {strides = array<i32>} : memref<26x512xf32, #tpu.memory_space<vmem>>, vector<1x16xf32>,
      %get3A_286 = vector.shape_cast %get3A_285 : vector<1x16xf32> to vector<16xf32>
      %mul3A_287 = arith.mulf %get3A_281, %get3A_286 : vector<16xf32>
      %add3A_288 = arith.addf %add3A_276, %mul3A_287 : vector<16xf32>
      %get3A_289 = arith.constant 22 : i32
      %get3A_290 = arith.index_cast %get3A_289 : i32 to index
      %get3A_291 = arith.index_cast %mul3A_24 : i32 to index
      %get3A_292 = tpu.vector_load %arg8[%get3A_290, %get3A_291] {strides = array<i32>} : memref<26x512xf32, #tpu.memory_space<vmem>>, vector<1x16xf32>,
      %get3A_293 = vector.shape_cast %get3A_292 : vector<1x16xf32> to vector<16xf32>
      %get3A_294 = arith.constant 22 : i32
      %get3A_295 = arith.index_cast %get3A_294 : i32 to index
      %get3A_296 = arith.index_cast %mul3A_24 : i32 to index
      %get3A_297 = tpu.vector_load %arg7[%get3A_295, %get3A_296] {strides = array<i32>} : memref<26x512xf32, #tpu.memory_space<vmem>>, vector<1x16xf32>,
      %get3A_298 = vector.shape_cast %get3A_297 : vector<1x16xf32> to vector<16xf32>
      %mul3A_299 = arith.mulf %get3A_293, %get3A_298 : vector<16xf32>
      %add3A_300 = arith.addf %add3A_288, %mul3A_299 : vector<16xf32>
      %get3A_301 = arith.constant 23 : i32
      %get3A_302 = arith.index_cast %get3A_301 : i32 to index
      %get3A_303 = arith.index_cast %mul3A_24 : i32 to index
      %get3A_304 = tpu.vector_load %arg8[%get3A_302, %get3A_303] {strides = array<i32>} : memref<26x512xf32, #tpu.memory_space<vmem>>, vector<1x16xf32>,
      %get3A_305 = vector.shape_cast %get3A_304 : vector<1x16xf32> to vector<16xf32>
      %get3A_306 = arith.constant 23 : i32
      %get3A_307 = arith.index_cast %get3A_306 : i32 to index
      %get3A_308 = arith.index_cast %mul3A_24 : i32 to index
      %get3A_309 = tpu.vector_load %arg7[%get3A_307, %get3A_308] {strides = array<i32>} : memref<26x512xf32, #tpu.memory_space<vmem>>, vector<1x16xf32>,
      %get3A_310 = vector.shape_cast %get3A_309 : vector<1x16xf32> to vector<16xf32>
      %mul3A_311 = arith.mulf %get3A_305, %get3A_310 : vector<16xf32>
      %add3A_312 = arith.addf %add3A_300, %mul3A_311 : vector<16xf32>
      %get3A_313 = arith.constant 24 : i32
      %get3A_314 = arith.index_cast %get3A_313 : i32 to index
      %get3A_315 = arith.index_cast %mul3A_24 : i32 to index
      %get3A_316 = tpu.vector_load %arg8[%get3A_314, %get3A_315] {strides = array<i32>} : memref<26x512xf32, #tpu.memory_space<vmem>>, vector<1x16xf32>,
      %get3A_317 = vector.shape_cast %get3A_316 : vector<1x16xf32> to vector<16xf32>
      %get3A_318 = arith.constant 24 : i32
      %get3A_319 = arith.index_cast %get3A_318 : i32 to index
      %get3A_320 = arith.index_cast %mul3A_24 : i32 to index
      %get3A_321 = tpu.vector_load %arg7[%get3A_319, %get3A_320] {strides = array<i32>} : memref<26x512xf32, #tpu.memory_space<vmem>>, vector<1x16xf32>,
      %get3A_322 = vector.shape_cast %get3A_321 : vector<1x16xf32> to vector<16xf32>
      %mul3A_323 = arith.mulf %get3A_317, %get3A_322 : vector<16xf32>
      %add3A_324 = arith.addf %add3A_312, %mul3A_323 : vector<16xf32>
      %get3A_325 = arith.constant 25 : i32
      %get3A_326 = arith.index_cast %get3A_325 : i32 to index
      %get3A_327 = arith.index_cast %mul3A_24 : i32 to index
      %get3A_328 = tpu.vector_load %arg8[%get3A_326, %get3A_327] {strides = array<i32>} : memref<26x512xf32, #tpu.memory_space<vmem>>, vector<1x16xf32>,
      %get3A_329 = vector.shape_cast %get3A_328 : vector<1x16xf32> to vector<16xf32>
      %get3A_330 = arith.constant 25 : i32
      %get3A_331 = arith.index_cast %get3A_330 : i32 to index
      %get3A_332 = arith.index_cast %mul3A_24 : i32 to index
      %get3A_333 = tpu.vector_load %arg7[%get3A_331, %get3A_332] {strides = array<i32>} : memref<26x512xf32, #tpu.memory_space<vmem>>, vector<1x16xf32>,
      %get3A_334 = vector.shape_cast %get3A_333 : vector<1x16xf32> to vector<16xf32>
      %mul3A_335 = arith.mulf %get3A_329, %get3A_334 : vector<16xf32>
      %add3A_336 = arith.addf %add3A_324, %mul3A_335 : vector<16xf32>
      %swap3A = arith.index_cast %mul3A_24 : i32 to index
      %swap3A_337 = tpu.vector_load %arg9[%swap3A] {strides = array<i32>} : memref<512xf32, #tpu.memory_space<vmem>>, vector<16xf32>,
      %swap3A_338 = vector.shape_cast %swap3A_337 : vector<16xf32> to vector<16xf32>
      %swap3A_339 = vector.shape_cast %add3A_336 : vector<16xf32> to vector<16xf32>
      tpu.vector_store %arg9[%swap3A], %swap3A_339 {strides = array<i32>} : memref<512xf32, #tpu.memory_space<vmem>>, vector<16xf32>,
    }
    %scan3A_17 = arith.constant 32 : i32
    "tpu.region"() ({
      %run_scoped3A = tpu.sem_alloc : memref<!tpu.dma_semaphore, #tpu.memory_space<semaphore_mem>>
      %dma_start3A = tpu.memref_slice %arg5[%mul3A_2] : memref<16384xf32, #tpu.memory_space<hbm>> -> memref<512xf32, #tpu.memory_space<hbm>>
      %dma_start3A_18 = tpu.memref_slice %arg5[%mul3A_2] : memref<16384xf32, #tpu.memory_space<hbm>> -> memref<512xf32, #tpu.memory_space<hbm>>
      tpu.enqueue_dma source(%arg9 : memref<512xf32, #tpu.memory_space<vmem>>) target(%dma_start3A_18 : memref<512xf32, #tpu.memory_space<hbm>>) target_semaphore(%run_scoped3A : memref<!tpu.dma_semaphore, #tpu.memory_space<semaphore_mem>>)
      %dma_wait3A = tpu.memref_slice %arg5[%mul3A_2] : memref<16384xf32, #tpu.memory_space<hbm>> -> memref<512xf32, #tpu.memory_space<hbm>>
      %dma_wait3A_19 = tpu.memref_slice %arg5[%mul3A_2] : memref<16384xf32, #tpu.memory_space<hbm>> -> memref<512xf32, #tpu.memory_space<hbm>>
      tpu.wait_dma2 semaphore(%run_scoped3A : memref<!tpu.dma_semaphore, #tpu.memory_space<semaphore_mem>>) src(%arg9 : memref<512xf32, #tpu.memory_space<vmem>>) dst(%dma_wait3A_19 : memref<512xf32, #tpu.memory_space<hbm>>)
      tpu.yield
    }) : () -> ()
    return
  }
}

module attributes {stable_mosaic.version = 14 : i64} {
  func.func @_second_order_body(%arg0: i32, %arg1: memref<832x2048xf32, #tpu.memory_space<vmem>>, %arg2: memref<2048xf32, #tpu.memory_space<vmem>>) attributes {dimension_semantics = [#tpu.dimension_semantics<arbitrary>], iteration_bounds = array<i64: 8>, scalar_prefetch = 0 : i64, scratch_operands = 0 : i64, tpu.core_type = #tpu.core_type<tc>, window_params = [{transform_indices = @transform_0, window_bounds = array<i64: 832, 2048>}, {transform_indices = @transform_1, window_bounds = array<i64: 2048>}]} {
    %get3A = arith.constant 0 : index
    %get3A_0 = arith.constant 0 : index
    %get3A_1 = vector.load %arg1[%get3A, %get3A_0] : memref<832x2048xf32, #tpu.memory_space<vmem>>, vector<832x2048xf32>
    %mul3A = arith.mulf %get3A_1, %get3A_1 : vector<832x2048xf32>
    %reduce_sum3A = arith.constant dense<0.000000e+00> : vector<2048xf32>
    %reduce_sum3A_2 = vector.multi_reduction <add>, %mul3A, %reduce_sum3A [0] : vector<832x2048xf32> to vector<2048xf32>
    %broadcast_in_dim3A = arith.constant 0.000000e+00 : f32
    %broadcast_in_dim3A_3 = vector.broadcast %broadcast_in_dim3A : f32 to vector<32x2048xf32>
    %slice3A = vector.extract_strided_slice %get3A_1 {offsets = [0, 0], sizes = [32, 2048], strides = [1, 1]} : vector<832x2048xf32> to vector<32x2048xf32>
    %add3A = arith.addf %broadcast_in_dim3A_3, %slice3A : vector<32x2048xf32>
    %slice3A_4 = vector.extract_strided_slice %get3A_1 {offsets = [32, 0], sizes = [32, 2048], strides = [1, 1]} : vector<832x2048xf32> to vector<32x2048xf32>
    %add3A_5 = arith.addf %add3A, %slice3A_4 : vector<32x2048xf32>
    %slice3A_6 = vector.extract_strided_slice %get3A_1 {offsets = [64, 0], sizes = [32, 2048], strides = [1, 1]} : vector<832x2048xf32> to vector<32x2048xf32>
    %add3A_7 = arith.addf %add3A_5, %slice3A_6 : vector<32x2048xf32>
    %slice3A_8 = vector.extract_strided_slice %get3A_1 {offsets = [96, 0], sizes = [32, 2048], strides = [1, 1]} : vector<832x2048xf32> to vector<32x2048xf32>
    %add3A_9 = arith.addf %add3A_7, %slice3A_8 : vector<32x2048xf32>
    %slice3A_10 = vector.extract_strided_slice %get3A_1 {offsets = [128, 0], sizes = [32, 2048], strides = [1, 1]} : vector<832x2048xf32> to vector<32x2048xf32>
    %add3A_11 = arith.addf %add3A_9, %slice3A_10 : vector<32x2048xf32>
    %slice3A_12 = vector.extract_strided_slice %get3A_1 {offsets = [160, 0], sizes = [32, 2048], strides = [1, 1]} : vector<832x2048xf32> to vector<32x2048xf32>
    %add3A_13 = arith.addf %add3A_11, %slice3A_12 : vector<32x2048xf32>
    %slice3A_14 = vector.extract_strided_slice %get3A_1 {offsets = [192, 0], sizes = [32, 2048], strides = [1, 1]} : vector<832x2048xf32> to vector<32x2048xf32>
    %add3A_15 = arith.addf %add3A_13, %slice3A_14 : vector<32x2048xf32>
    %slice3A_16 = vector.extract_strided_slice %get3A_1 {offsets = [224, 0], sizes = [32, 2048], strides = [1, 1]} : vector<832x2048xf32> to vector<32x2048xf32>
    %add3A_17 = arith.addf %add3A_15, %slice3A_16 : vector<32x2048xf32>
    %slice3A_18 = vector.extract_strided_slice %get3A_1 {offsets = [256, 0], sizes = [32, 2048], strides = [1, 1]} : vector<832x2048xf32> to vector<32x2048xf32>
    %add3A_19 = arith.addf %add3A_17, %slice3A_18 : vector<32x2048xf32>
    %slice3A_20 = vector.extract_strided_slice %get3A_1 {offsets = [288, 0], sizes = [32, 2048], strides = [1, 1]} : vector<832x2048xf32> to vector<32x2048xf32>
    %add3A_21 = arith.addf %add3A_19, %slice3A_20 : vector<32x2048xf32>
    %slice3A_22 = vector.extract_strided_slice %get3A_1 {offsets = [320, 0], sizes = [32, 2048], strides = [1, 1]} : vector<832x2048xf32> to vector<32x2048xf32>
    %add3A_23 = arith.addf %add3A_21, %slice3A_22 : vector<32x2048xf32>
    %slice3A_24 = vector.extract_strided_slice %get3A_1 {offsets = [352, 0], sizes = [32, 2048], strides = [1, 1]} : vector<832x2048xf32> to vector<32x2048xf32>
    %add3A_25 = arith.addf %add3A_23, %slice3A_24 : vector<32x2048xf32>
    %slice3A_26 = vector.extract_strided_slice %get3A_1 {offsets = [384, 0], sizes = [32, 2048], strides = [1, 1]} : vector<832x2048xf32> to vector<32x2048xf32>
    %add3A_27 = arith.addf %add3A_25, %slice3A_26 : vector<32x2048xf32>
    %slice3A_28 = vector.extract_strided_slice %get3A_1 {offsets = [416, 0], sizes = [32, 2048], strides = [1, 1]} : vector<832x2048xf32> to vector<32x2048xf32>
    %add3A_29 = arith.addf %add3A_27, %slice3A_28 : vector<32x2048xf32>
    %slice3A_30 = vector.extract_strided_slice %get3A_1 {offsets = [448, 0], sizes = [32, 2048], strides = [1, 1]} : vector<832x2048xf32> to vector<32x2048xf32>
    %add3A_31 = arith.addf %add3A_29, %slice3A_30 : vector<32x2048xf32>
    %slice3A_32 = vector.extract_strided_slice %get3A_1 {offsets = [480, 0], sizes = [32, 2048], strides = [1, 1]} : vector<832x2048xf32> to vector<32x2048xf32>
    %add3A_33 = arith.addf %add3A_31, %slice3A_32 : vector<32x2048xf32>
    %slice3A_34 = vector.extract_strided_slice %get3A_1 {offsets = [512, 0], sizes = [32, 2048], strides = [1, 1]} : vector<832x2048xf32> to vector<32x2048xf32>
    %add3A_35 = arith.addf %add3A_33, %slice3A_34 : vector<32x2048xf32>
    %slice3A_36 = vector.extract_strided_slice %get3A_1 {offsets = [544, 0], sizes = [32, 2048], strides = [1, 1]} : vector<832x2048xf32> to vector<32x2048xf32>
    %add3A_37 = arith.addf %add3A_35, %slice3A_36 : vector<32x2048xf32>
    %slice3A_38 = vector.extract_strided_slice %get3A_1 {offsets = [576, 0], sizes = [32, 2048], strides = [1, 1]} : vector<832x2048xf32> to vector<32x2048xf32>
    %add3A_39 = arith.addf %add3A_37, %slice3A_38 : vector<32x2048xf32>
    %slice3A_40 = vector.extract_strided_slice %get3A_1 {offsets = [608, 0], sizes = [32, 2048], strides = [1, 1]} : vector<832x2048xf32> to vector<32x2048xf32>
    %add3A_41 = arith.addf %add3A_39, %slice3A_40 : vector<32x2048xf32>
    %slice3A_42 = vector.extract_strided_slice %get3A_1 {offsets = [640, 0], sizes = [32, 2048], strides = [1, 1]} : vector<832x2048xf32> to vector<32x2048xf32>
    %add3A_43 = arith.addf %add3A_41, %slice3A_42 : vector<32x2048xf32>
    %slice3A_44 = vector.extract_strided_slice %get3A_1 {offsets = [672, 0], sizes = [32, 2048], strides = [1, 1]} : vector<832x2048xf32> to vector<32x2048xf32>
    %add3A_45 = arith.addf %add3A_43, %slice3A_44 : vector<32x2048xf32>
    %slice3A_46 = vector.extract_strided_slice %get3A_1 {offsets = [704, 0], sizes = [32, 2048], strides = [1, 1]} : vector<832x2048xf32> to vector<32x2048xf32>
    %add3A_47 = arith.addf %add3A_45, %slice3A_46 : vector<32x2048xf32>
    %slice3A_48 = vector.extract_strided_slice %get3A_1 {offsets = [736, 0], sizes = [32, 2048], strides = [1, 1]} : vector<832x2048xf32> to vector<32x2048xf32>
    %add3A_49 = arith.addf %add3A_47, %slice3A_48 : vector<32x2048xf32>
    %slice3A_50 = vector.extract_strided_slice %get3A_1 {offsets = [768, 0], sizes = [32, 2048], strides = [1, 1]} : vector<832x2048xf32> to vector<32x2048xf32>
    %add3A_51 = arith.addf %add3A_49, %slice3A_50 : vector<32x2048xf32>
    %slice3A_52 = vector.extract_strided_slice %get3A_1 {offsets = [800, 0], sizes = [32, 2048], strides = [1, 1]} : vector<832x2048xf32> to vector<32x2048xf32>
    %add3A_53 = arith.addf %add3A_51, %slice3A_52 : vector<32x2048xf32>
    %mul3A_54 = arith.mulf %add3A_53, %add3A_53 : vector<32x2048xf32>
    %reduce_sum3A_55 = arith.constant dense<0.000000e+00> : vector<2048xf32>
    %reduce_sum3A_56 = vector.multi_reduction <add>, %mul3A_54, %reduce_sum3A_55 [0] : vector<32x2048xf32> to vector<2048xf32>
    %sub3A = arith.subf %reduce_sum3A_56, %reduce_sum3A_2 : vector<2048xf32>
    %mul3A_57 = arith.constant 5.000000e-01 : f32
    %mul3A_58 = vector.broadcast %mul3A_57 : f32 to vector<2048xf32>
    %mul3A_59 = arith.mulf %mul3A_58, %sub3A : vector<2048xf32>
    %swap3A = arith.constant 0 : index
    %swap3A_60 = vector.load %arg2[%swap3A] : memref<2048xf32, #tpu.memory_space<vmem>>, vector<2048xf32>
    tpu.vector_store %arg2[%swap3A], %mul3A_59 {strides = array<i32>} : memref<2048xf32, #tpu.memory_space<vmem>>, vector<2048xf32>,
    return
  }
  func.func @transform_0(%arg0: i32) -> (i32, i32) {
    %c0_i32 = arith.constant 0 : i32
    %c0_i32_0 = arith.constant 0 : i32
    return %c0_i32, %arg0 : i32, i32
  }
  func.func @transform_1(%arg0: i32) -> i32 {
    %c0_i32 = arith.constant 0 : i32
    return %arg0 : i32
  }
}

</mosaic_0001>

<sc_bundles>
// kernel: kernel.4.cloned.1.call-start
scs
__scs_entry_jumppad:
0x0: {  	(pc) =	sbr.rel $0x88, $3  }
0x1: {  	(tag) =	ssettag $0x0;
	lr =	simm.s32 $0x1  }
0x2: {  	[smem:$0x3F9D] =	sst lr;
	_ =	strace $0xD0000000  }
0x3: {  	_ = 	snop  }
0x4: {  	_ = 	snop  }
0x5: {  	_ = 	snop  }
0x6: {  	_ = 	snop  }
0x7: {  	_ = 	snop  }
__scs_overlays_trampoline_lowered:
0x8: {  	[smem:$0x3FAC] =	sst s0  }
0x9: {  	[smem:$0x3FAD] =	sst s1  }
0xa: {  	[smem:$0x3FAE] =	sst s2  }
0xb: {  	[smem:$0x3FAF] =	sst s3  }
0xc: {  	[smem:$0x3FB0] =	sst s4  }
0xd: {  	[smem:$0x3FB1] =	sst s5  }
0xe: {  	[smem:$0x3FB2] =	sst s6  }
0xf: {  	[smem:$0x3FB3] =	sst s7  }
0x10: {  	[smem:$0x3FB4] =	sst s8  }
0x11: {  	[smem:$0x3FB5] =	sst s9;
	s0 =	simm.s32 @!p0 $0x0  }
0x12: {  	s1 =	sld [smem:$0x3F9B];
	s0 =	simm.s32 @p0 $0x1  }
0x13: {  	[smem:$0x3FB6] =	sst s0;
	s0 =	simm.s32 @!p1 $0x0  }
0x14: {  	s2 =	sld [smem:$0x3F9A];
	s0 =	simm.s32 @p1 $0x1  }
0x15: {  	[smem:$0x3FB7] =	sst s0;
	s0 =	simm.s32 @!p2 $0x0  }
0x16: {  	s3 =	sld [smem:$0x3FDB];
	s0 =	simm.s32 @p2 $0x1  }
0x17: {  	s4 =	simm.s32 $0x1BF5;
	[smem:$0x3FB9] =	sst s0  }
0x18: {  	s0 =	sld [smem:$0x3F9C];
	_ =	swait.ge [sflag:s4], $0x0  }
0x19: {  	s7 =	sld [smem:$0x3F9D]  }
0x1a: {  	s8 =	sadd.s32 $0xFFFFE003, lr  }
0x1b: {  	s9 =	sadd.s32 $0xFFFFFEF7, lr;
	s5 =	simm.s32 $0xFFFFFFFF;
	p2 =	slt.u32 s8, $0xFFFFF086  }
0x1c: {  	p1 =	slt.u32 s9, $0xF7A;
	s5 =	simm.s32 @!p2 $0x0  }
0x1d: {  	s5 =	simm.s32 @p1 $0x1;
	p0 =	seq.s32 s7, s2  }
0x1e: {  	s7 =	smul.u32 @!p0 $0xF7A, s2;
	p2 =	seq.s32 @!p0 s5, $0x0  }
0x1f: {  	s9 =	smul.u32 $0xF7A, s1;
	s8 =	simm.s32 @!p0 $0x1BF5;
	p2 =	por !p2, p0  }
0x20: {  	[sflag:s8] =	ssyncset.s32 @!p0 $0xFFFFF086;
	s6 =	sadd.s32 @!p0 s3, s7;
	s7 =	simm.s32 @!p0 $0x108  }
0x21: {  	s3 =	sadd.s32 s3, s9;
	s6 =	sadd.s32 @!p0 $0x88, s6;
	s7 =	simm.s32 @p2 $0x1082  }
0x22: {  	[simem:s7], [sflag:s8] =	dma.local @!p0 [hbm:s6], $0xF7A  }
0x23: {  	s9 =	sor.u32 $0xD0000000, s2;
	s6 =	simm.s32 $0x108;
	_ =	swait.ge @!p0 [sflag:s8], $0x0  }
0x24: {  	s3 =	sadd.s32 $0x88, s3;
	s6 =	simm.s32 @!p1 $0x1082;
	[sflag:s4] =	ssyncset.s32 $0xFFFFF086  }
0x25: {  	[simem:s6], [sflag:s4] =	dma.local [hbm:s3], $0xF7A  }
0x26: {  	[smem:$0x3F9D] =	sst s1;
	(tag) =	ssettag s2;
	_ =	strace s9  }
0x27: {  	s1 =	sld [smem:$0x3FAD]  }
0x28: {  	s2 =	sld [smem:$0x3FAE]  }
0x29: {  	s4 =	sld [smem:$0x3FB0]  }
0x2a: {  	p0 =	seq.s32 s5, $0x0;
	s5 =	sld [smem:$0x3FB1]  }
0x2b: {  	s6 =	sld [smem:$0x3FB2]  }
0x2c: {  	s7 =	sld [smem:$0x3FB3]  }
0x2d: {  	s3 =	simm.s32 $0x108;
	s8 =	sld [smem:$0x3FB4]  }
0x2e: {  	s3 =	simm.s32 @!p0 $0x1082;
	s9 =	sld [smem:$0x3FB5]  }
0x2f: {  	lr =	sadd.s32 s0, s3;
	s0 =	sld [smem:$0x3FAC]  }
0x30: {  	s3 =	sld [smem:$0x3FAF]  }
0x31: {  	[smem:$0x3FB8] =	sst s10  }
0x32: {  	s10 =	sld [smem:$0x3FB6];
	_ =	sdelay $0x3  }
0x33: {  	p0 =	seq.s32 s10, $0x1;
	s10 =	sld [smem:$0x3FB8];
	_ =	sdelay $0x3  }
0x34: {  	[smem:$0x3FB8] =	sst s10  }
0x35: {  	s10 =	sld [smem:$0x3FB7];
	_ =	sdelay $0x3  }
0x36: {  	p1 =	seq.s32 s10, $0x1;
	s10 =	sld [smem:$0x3FB8];
	_ =	sdelay $0x3  }
0x37: {  	[smem:$0x3FB8] =	sst s10  }
0x38: {  	s10 =	sld [smem:$0x3FB9]  }
0x39: {  	_ = 	snop;
	(pc) =	sbr.ind lr, $3  }
0x3a: {  	_ = 	snop  }
0x3b: {  	_ = 	snop  }
0x3c: {  	p2 =	seq.s32 s10, $0x1;
	s10 =	sld [smem:$0x3FB8]  }
0x3d: {  	_ =	shalt  }
0x3e: {  	_ =	shalt  }
0x3f: {  	_ =	shalt  }
0x40: {  	_ =	shalt  }
0x41: {  	_ =	shalt  }
0x42: {  	_ =	shalt  }
0x43: {  	_ =	shalt  }
0x44: {  	_ =	shalt  }
0x45: {  	_ =	shalt  }
0x46: {  	_ =	shalt  }
0x47: {  	_ =	shalt  }
0x48: {  	_ =	shalt  }
0x49: {  	_ =	shalt  }
0x4a: {  	_ =	shalt  }
0x4b: {  	_ =	shalt  }
0x4c: {  	_ =	shalt  }
0x4d: {  	_ =	shalt  }
0x4e: {  	_ =	shalt  }
0x4f: {  	_ =	shalt  }
0x50: {  	_ =	shalt  }
0x51: {  	_ =	shalt  }
0x52: {  	_ =	shalt  }
0x53: {  	_ =	shalt  }
0x54: {  	_ =	shalt  }
0x55: {  	_ =	shalt  }
0x56: {  	_ =	shalt  }
0x57: {  	_ =	shalt  }
0x58: {  	_ =	shalt  }
0x59: {  	_ =	shalt  }
0x5a: {  	_ =	shalt  }
0x5b: {  	_ =	shalt  }
0x5c: {  	_ =	shalt  }
0x5d: {  	_ =	shalt  }
0x5e: {  	_ =	shalt  }
0x5f: {  	_ =	shalt  }
0x60: {  	_ =	shalt  }
0x61: {  	_ =	shalt  }
0x62: {  	_ =	shalt  }
0x63: {  	_ =	shalt  }
0x64: {  	_ =	shalt  }
0x65: {  	_ =	shalt  }
0x66: {  	_ =	shalt  }
0x67: {  	_ =	shalt  }
0x68: {  	_ =	shalt  }
0x69: {  	_ =	shalt  }
0x6a: {  	_ =	shalt  }
0x6b: {  	_ =	shalt  }
0x6c: {  	_ =	shalt  }
0x6d: {  	_ =	shalt  }
0x6e: {  	_ =	shalt  }
0x6f: {  	_ =	shalt  }
0x70: {  	_ =	shalt  }
0x71: {  	_ =	shalt  }
0x72: {  	_ =	shalt  }
0x73: {  	_ =	shalt  }
0x74: {  	_ =	shalt  }
0x75: {  	_ =	shalt  }
0x76: {  	_ =	shalt  }
0x77: {  	_ =	shalt  }
0x78: {  	_ =	shalt  }
0x79: {  	_ =	shalt  }
0x7a: {  	_ =	shalt  }
0x7b: {  	_ =	shalt  }
0x7c: {  	_ =	shalt  }
0x7d: {  	_ =	shalt  }
0x7e: {  	_ =	shalt  }
0x7f: {  	_ =	shalt  }
0x80: {  	_ =	shalt  }
0x81: {  	_ =	shalt  }
0x82: {  	_ =	shalt  }
0x83: {  	_ =	shalt  }
0x84: {  	_ =	shalt  }
0x85: {  	_ =	shalt  }
0x86: {  	_ =	shalt  }
0x87: {  	_ =	shalt  }
.Lfunc_end0:
.L_simem_size_0:
called_computation_lowered:
.L_overlay_start_0:
0x88: {  	s2 =	sld [smem:$0x3FD9]  }
0x89: {  	s3 =	sld [smem:$0x3FFE];
	_ =	sdelay $0x1  }
0x8a: {  	s1 =	srdreg.scid  }
0x8b: {  	s0 =	sand.u32 $0x1, s1  }
0x8c: {  	s18 =	sshll.u32 s0, $0xA;
	s2 =	sadd.s32 s3, s2  }
0x8d: {  	s2 =	sadd.s32 s2, s18  }
0x8e: {  	[smem:$0x3FC4] =	sst s2  }
0x8f: {  	_ = 	snop  }
0x90: {  	s2 =	sld [smem:$0x3FC9]  }
0x91: {  	s19 =	sld [smem:$0x3FC8]  }
0x92: {  	s4 =	sld [smem:$0x3FC6]  }
0x93: {  	s5 =	sld [smem:$0x3FD0];
	(tm) =	ssettm $0x1  }
0x94: {  	s6 =	sld [smem:$0x3FFB];
	_ =	sdelay $0x3  }
0x95: {  	_ =	strace s6  }
0x96: {  	s6 =	sld [smem:$0x3FFC];
	_ =	sdelay $0x3  }
0x97: {  	_ =	strace s6  }
0x98: {  	s6 =	sld [smem:$0x3FFD];
	_ =	sdelay $0x3  }
0x99: {  	_ =	strace s6  }
0x9a: {  	_ =	strace $0x8FFFFFFF  }
0x9b: {  	s20 =	sld [smem:$0x3FDB];
	_ =	sdelay $0x1  }
0x9c: {  	s7 =	simm.s32 $_scs_section_size  }
0x9d: {  	s8 =	simm.s32 $_size__tile_overlayer_lowered;
	s9 =	simm.s32 $_tile_overlayer_lowered  }
0x9e: {  	s23 =	simm.s32 $0x1BFF;
	s22 =	sshll.u32 s9, $0x1;
	s6 =	sadd.s32 s7, s20  }
0x9f: {  	s10 =	simm.s32 $0x0;
	s21 =	sshll.u32 s8, $0x1;
	s8 =	sadd.s32 s22, s6  }
0xa0: {  	[timem:s10], [sflag:s23] =	dma.local [hbm:s8], s21  }
0xa1: {  	_ =	swait.ge [sflag:s23], s21  }
0xa2: {  	s7 =	ssub.s32 $0x0, s21;
	[sflag:s23] =	ssyncset.done $0x0  }
0xa3: {  	[sflag:s23] =	ssyncadd.s32 s7;
	_ =	sdelay $0x1  }
0xa4: {  	s24 =	simm.s32 $0x1B8B  }
0xa5: {  	_ =	swait.ge [sflag:s24], $0x1  }
0xa6: {  	[sflag:s24] =	ssyncset.done $0x0  }
0xa7: {  	s25 =	simm.s32 $0x1B8E;
	[sflag:s24] =	ssyncadd.s32 $0xFFFFFFFF  }
0xa8: {  	s26 =	simm.s32 $execute0_lowered;
	[smem:$0x3FD2] =	sst s25  }
0xa9: {  	s7 =	sshll.u32 s26, $0x1;
	_ =	strace $0x80000046;
	[dreg:$0x1] =	wrdreg $0xFFFFFFFF  }
0xaa: {  	s28 =	simm.s32 $_size_execute0_lowered;
	s6 =	sadd.s32 s6, s7;
	[dreg:$0x0] =	wrdreg $0x0  }
0xab: {  	s7 =	sshll.u32 s28, $0x1;
	[dreg:$0x2] =	wrdreg s6  }
0xac: {  	[dreg:$0x3] =	wrdreg s7  }
0xad: {  	[dreg:$0x4] =	wrdreg $0xC0  }
0xae: {  	_ =	task [dreg:s10], $0x5FFFF  }
0xaf: {  	[dreg:$0x1] =	wrdreg $0xFFFFFFFF  }
0xb0: {  	[dreg:$0x0] =	wrdreg $0x60  }
0xb1: {  	[dreg:$0x2] =	wrdreg s2  }
0xb2: {  	[dreg:$0x3] =	wrdreg s19  }
0xb3: {  	[dreg:$0x4] =	wrdreg s4  }
0xb4: {  	[dreg:$0x5] =	wrdreg s5  }
0xb5: {  	[dreg:$0x6] =	wrdreg $0xC2000  }
0xb6: {  	[dreg:$0x7] =	wrdreg $0x9  }
0xb7: {  	_ =	task.clear_ibuf [dreg:s10], $0x8FFFF;
	_ =	strace $0x90000046  }
0xb8: {  	s29 =	simm.s32 $0x9;
	_ =	strace $0x80000048  }
0xb9: {  	_ =	swait.ge [sflag:s29], $0x1  }
0xba: {  	[sflag:s29] =	ssyncadd.s32 $0xFFFFFFFF  }
0xbb: {  	_ =	strace $0x90000048  }
0xbc: {  	_ =	sfence  }
0xbd: {  	s30 =	sld [smem:$0x0];
	_ =	sdelay $0x2  }
0xbe: {  	s31 =	sshll.u32 s1, $0xD;
	s1 =	sshrl.u32 s1, $0x2  }
0xbf: {  	s3 =	sand.u32 $0x4000, s31;
	s1 =	sadd.s32 s1, s30  }
0xc0: {  	s0 =	sor.u32 s3, s0;
	s1 =	sshll.u32 s1, $0x11  }
0xc1: {  	s0 =	sor.u32 s1, s0  }
0xc2: {  	s0 =	sadd.s32 $0x8F2B, s0  }
0xc3: {  	[sflag:s0] =	ssyncadd.remote.s32 $0x1  }
0xc4: {  	_ =	sfence.sel $0xFFFF  }
0xc5: {  	[dreg:$0x0] =	wrdreg $0xFFFFFFFF;
	(pc) =	sbr.abs _section_cstart, $3  }
0xc6: {  	[dreg:$0x1] =	wrdreg $0xFFFFFFFF  }
0xc7: {  	_ =	task.clear_ibuf [dreg:s10], $0x2FFFF;
	_ =	strace $0x9FFFFFFF  }
0xc8: {  	(tm) =	ssettm $0x7FFFFFFF  }
0xc9: {  	_ =	shalt  }
tec
execute0_lowered:
.L_overlay_start_1:
0x0: {  	(tag) =	ssettag $0x1  }
0x1: {  	s6 =	rddreg [dreg:$0x0]  }
0x2: {  	s7 =	rddreg [dreg:$0x1]  }
0x3: {  	s5 =	rddreg [dreg:$0x2]  }
0x4: {  	s8 =	rddreg [dreg:$0x3]  }
0x5: {  	s0 =	srdreg.scid;
	s1 =	rddreg [dreg:$0x4];
	s3 =	simm.s32 $0x0  }
0x6: {  	s2 =	stileid.u32;
	s14 =	simm.s32 $0x20000;
	s15 =	simm.s32 $0x2  }
0x7: {  	s16 =	simm.s32 $0x4000;
	s17 =	simm.s32 $0x1;
	s18 =	simm.s32 $0xC000  }
0x8: {  	s19 =	simm.s32 $0x0;
	s4 =	sand.u32 $0x1, s0;
	s0 =	rddreg [dreg:$0x5]  }
0x9: {  	[smem:$0x7FF] =	sst s3;
	s11 =	sshll.u32 s2, $0xA;
	s12 =	smul.u32 $0x1E800, s2  }
0xa: {  	p0 =	sgt.u32 s2, $0x6;
	s9 =	ssub.s32 $0x2, s4;
	s4 =	sshll.u32 s4, $0x9  }
0xb: {  	_ =	strace $0x80000047;
	p1 =	sne.s32 @p0 s2, $0x7;
	s10 =	sshrl.u32 s9, $0x1  }
0xc: {  	s30 =	sor.u32 s4, s11;
	s11 =	sadd.s32 $0xD5800, s1;
	s4 =	sadd.s32 $0x1AB00, s5  }
0xd: {  	s13 =	sshrl.u32 s12, $0x3;
	s12 =	sadd.s32 s12, s1;
	p1 =	por p1, !p0  }
0xe: {  	s9 =	ssub.s32 s9, s10;
	s5 =	sadd.s32 s5, s13;
	s6 =	sadd.s32 s6, s30  }
0xf: {  	s31 =	sshrl.u32 s30, $0x3;
	s7 =	sadd.s32 s7, s30;
	s10 =	sshrl.u32 @!p1 s11, $0x3  }
0x10: {  	s11 =	sshll.u32 @!p0 s2, $0x6;
	s12 =	sshrl.u32 @!p0 s12, $0x3;
	s13 =	simm.s32 $0x1000  }
0x11: {  	s8 =	sadd.s32 s8, s31;
	s9 =	smax.u32 s9, $0x1;
	s11 =	sor.u32 @!p0 $0x1C02, s11  }
.LBB2_1:
0x12: {  	s20 =	simm.s32 @!p1 $0x1DC2  }
0x13: {  	[spmem:s10], [sflag:s20] =	dma.local @!p1 [hbm:s4], $0x3D50  }
0x14: {  	s20 =	simm.s32 @!p1 $0x2  }
0x15: {  	_ =	swait.ge @!p1 [sflag:s20], $0x3D50  }
0x16: {  	[sflag:s20] =	ssyncset.done @!p1 $0x0  }
0x17: {  	[sflag:s20] =	ssyncadd.s32 @!p1 $0xFFFFC2B0;
	s20 =	simm.s32 @!p0 $0x2  }
0x18: {  	[spmem:s12], [sflag:s11] =	dma.local @!p0 [hbm:s5], $0x3D00  }
0x19: {  	_ =	swait.ge @!p0 [sflag:s20], $0x3D00  }
0x1a: {  	[sflag:s20] =	ssyncset.done @!p0 $0x0  }
0x1b: {  	[sflag:s20] =	ssyncadd.s32 @!p0 $0xFFFFC300  }
0x1c: {  	[tilespmem:s3], [sflag:$0x2] =	stream.strided.gather [hbm4b:s6+s13], $0x4000, s14, s13, $0x38;
	[tilespmem:$0x1B628] =	vst v63  }
0x1d: {  	_ =	swait.ge [sflag:s15], $0x4000  }
0x1e: {  	[sflag:s15] =	ssyncset.done $0x0  }
0x1f: {  	[sflag:s15] =	ssyncadd.s32 $0xFFFFC000  }
0x20: {  	[tilespmem:s16], [sflag:$0x2] =	stream.strided.gather [hbm4b:s7+s13], $0x4000, s14, s13, $0x38;
	[tilespmem:$0x1B628] =	vst v63  }
0x21: {  	_ =	swait.ge [sflag:s15], $0x4000  }
0x22: {  	[sflag:s15] =	ssyncset.done $0x0  }
0x23: {  	[sflag:s15] =	ssyncadd.s32 $0xFFFFC000  }
0x24: {  	s21 =	simm.s32 $0x0;
	s20 =	simm.s32 $0x0;
	[bflag:$0x0] =	sbarrier.arrive $0xFFFF  }
.LBB2_2:
0x25: {  	p2 =	sgt.u32 s21, $0x67  }
0x26: {  	s22 =	sshll.u32 @!p2 s21, $0x7  }
0x27: {  	s23 =	sand.u32 @!p2 $0xC00, s20;
	s24 =	sshll.u32 @!p2 s21, $0x5;
	s22 =	sand.u32 @!p2 $0x3000, s22  }
0x28: {  	s22 =	sor.u32 @!p2 s23, s22;
	s23 =	sand.u32 @!p2 $0x380, s24  }
0x29: {  	s22 =	sor.u32 @!p2 s23, s22  }
0x2a: {  	p3 =	slt.u32 @!p2 s21, $0x20;
	s24 =	simm.s32 @!p2 $0x80;
	s23 =	sor.u32 @!p2 $0x8000, s22  }
0x2b: {  	[tilespmem:s23], [sflag:$0x1] =	stream.indirect.gather @!p2 [spmem:s1], $0x1, s22, s24, $0xb8;
	[tilespmem:$0x1B628] =	vst v63  }
0x2c: {  	p2 =	por p2, !p3  }
0x2d: {  	_ =	swait.ge @p2 [sflag:s17], $0x80  }
0x2e: {  	s21 =	sadd.s32 $0x1, s21;
	[sflag:s17] =	ssyncset.done @p2 $0x0  }
0x2f: {  	[sflag:s17] =	ssyncadd.s32 @p2 $0xFFFFFF80;
	p2 =	sne.s32 s21, $0x88  }
.Ltmp0:
0x30: {  	_ = 	snop;
	(pc) =	sbr.rel @p2 .LBB2_2-.Ltmp0, $2  }
0x31: {  	_ =	sdelay $0x2  }
0x32: {  	s20 =	sadd.s32 $0x400, s20  }
0x33: {  	s22 =	simm.s32 $0x0  }
0x34: {  	s20 =	sand.u32 $0x70, s22;
	s21 =	sand.u32 $0xC00, s22  }
0x35: {  	s20 =	sor.u32 s20, s21  }
0x36: {  	v0 =	vld [tilespmem:s20+$0x4000]  }
0x37: {  	v1 =	vld [tilespmem:s20+$0x8000]  }
0x38: {  	v2 =	vld [tilespmem:s20+$0x8080]  }
0x39: {  	s25 =	sand.u32 $0xFFFFFC00, s22;
	v3 =	vld [tilespmem:s20+$0x4080]  }
0x3a: {  	s21 =	sadd.s32 $0x0, s25;
	v4 =	vld [tilespmem:s20+$0x8100]  }
0x3b: {  	v5 =	vld [tilespmem:s20+$0x4100];
	s23 =	sor.u32 $0x180, s21  }
0x3c: {  	v52 =	vld [tilespmem:s23+$0x8000];
	v0 =	vmul.f32 v0, v1  }
0x3d: {  	v6 =	vld [tilespmem:s23+$0x4000]  }
0x3e: {  	v53 =	vld [tilespmem:s20+$0x8200];
	v2 =	vmul.f32 v3, v2;
	v0 =	vadd.f32 $0.0e+00, v0  }
0x3f: {  	v7 =	vld [tilespmem:s20+$0x4200]  }
0x40: {  	v55 =	vld [tilespmem:s20+$0x8280];
	v54 =	vmul.f32 v5, v4;
	v0 =	vadd.f32 v2, v0  }
0x41: {  	v56 =	vld [tilespmem:s20+$0x4280]  }
0x42: {  	s22 =	sor.u32 s22, s22;
	v57 =	vld [tilespmem:s20+$0x8300];
	v1 =	vmul.f32 v6, v52;
	v0 =	vadd.f32 v54, v0  }
0x43: {  	s26 =	sor.u32 $0x380, s22;
	v58 =	vld [tilespmem:s20+$0x4300]  }
0x44: {  	v60 =	vld [tilespmem:s26+$0x8000];
	v59 =	vmul.f32 v7, v53;
	v0 =	vadd.f32 v1, v0  }
0x45: {  	v61 =	vld [tilespmem:s26+$0x4000]  }
0x46: {  	v63 =	vld [tilespmem:s20+$0x9000];
	v62 =	vmul.f32 v56, v55;
	v0 =	vadd.f32 v59, v0  }
0x47: {  	v9 =	vld [tilespmem:s20+$0x5000]  }
0x48: {  	v11 =	vld [tilespmem:s20+$0x9080];
	v10 =	vmul.f32 v58, v57;
	v0 =	vadd.f32 v62, v0  }
0x49: {  	v12 =	vld [tilespmem:s20+$0x5080]  }
0x4a: {  	v14 =	vld [tilespmem:s20+$0x9100];
	v13 =	vmul.f32 v61, v60;
	v0 =	vadd.f32 v10, v0  }
0x4b: {  	v15 =	vld [tilespmem:s20+$0x5100];
	s28 =	sor.u32 $0x1180, s21  }
0x4c: {  	v17 =	vld [tilespmem:s28+$0x8000];
	v16 =	vmul.f32 v9, v63;
	v0 =	vadd.f32 v13, v0  }
0x4d: {  	v18 =	vld [tilespmem:s28+$0x4000]  }
0x4e: {  	v20 =	vld [tilespmem:s20+$0x9200];
	v19 =	vmul.f32 v12, v11;
	v0 =	vadd.f32 v16, v0  }
0x4f: {  	v21 =	vld [tilespmem:s20+$0x5200]  }
0x50: {  	v23 =	vld [tilespmem:s20+$0x9280];
	v22 =	vmul.f32 v15, v14;
	v0 =	vadd.f32 v19, v0  }
0x51: {  	v24 =	vld [tilespmem:s20+$0x5280]  }
0x52: {  	v26 =	vld [tilespmem:s20+$0x9300];
	v25 =	vmul.f32 v18, v17;
	v0 =	vadd.f32 v22, v0  }
0x53: {  	s29 =	sor.u32 $0x1380, s22;
	v27 =	vld [tilespmem:s20+$0x5300]  }
0x54: {  	v29 =	vld [tilespmem:s29+$0x8000];
	v28 =	vmul.f32 v21, v20;
	v0 =	vadd.f32 v25, v0  }
0x55: {  	v30 =	vld [tilespmem:s29+$0x4000]  }
0x56: {  	v32 =	vld [tilespmem:s20+$0xA000];
	v31 =	vmul.f32 v24, v23;
	v0 =	vadd.f32 v28, v0  }
0x57: {  	v33 =	vld [tilespmem:s20+$0x6000]  }
0x58: {  	v35 =	vld [tilespmem:s20+$0xA080];
	v34 =	vmul.f32 v27, v26;
	v0 =	vadd.f32 v31, v0  }
0x59: {  	v36 =	vld [tilespmem:s20+$0x6080]  }
0x5a: {  	v38 =	vld [tilespmem:s20+$0xA100];
	v37 =	vmul.f32 v30, v29;
	v0 =	vadd.f32 v34, v0  }
0x5b: {  	v39 =	vld [tilespmem:s20+$0x6100];
	s21 =	sor.u32 $0x2180, s21  }
0x5c: {  	v41 =	vld [tilespmem:s21+$0x8000];
	v40 =	vmul.f32 v33, v32;
	v0 =	vadd.f32 v37, v0  }
0x5d: {  	v42 =	vld [tilespmem:s21+$0x4000]  }
0x5e: {  	v44 =	vld [tilespmem:s20+$0xA200];
	v43 =	vmul.f32 v36, v35;
	v0 =	vadd.f32 v40, v0  }
0x5f: {  	v45 =	vld [tilespmem:s20+$0x6200]  }
0x60: {  	v47 =	vld [tilespmem:s20+$0xA280];
	v46 =	vmul.f32 v39, v38;
	v0 =	vadd.f32 v43, v0  }
0x61: {  	v48 =	vld [tilespmem:s20+$0x6280]  }
0x62: {  	v50 =	vld [tilespmem:s20+$0xA300];
	v49 =	vmul.f32 v42, v41;
	v0 =	vadd.f32 v46, v0  }
0x63: {  	s30 =	sor.u32 $0x2380, s22;
	v51 =	vld [tilespmem:s20+$0x6300]  }
0x64: {  	v53 =	vld [tilespmem:s30+$0x8000];
	v52 =	vmul.f32 v45, v44;
	v0 =	vadd.f32 v49, v0  }
0x65: {  	v54 =	vld [tilespmem:s30+$0x4000]  }
0x66: {  	v55 =	vmul.f32 v48, v47;
	v56 =	vld [tilespmem:s20+$0xB000];
	v0 =	vadd.f32 v52, v0  }
0x67: {  	v57 =	vld [tilespmem:s20+$0x7000]  }
0x68: {  	v58 =	vmul.f32 v51, v50;
	v60 =	vld [tilespmem:s20+$0x7080];
	v0 =	vadd.f32 v55, v0  }
0x69: {  	v59 =	vld [tilespmem:s20+$0xB080]  }
0x6a: {  	v61 =	vmul.f32 v54, v53;
	v0 =	vadd.f32 v58, v0;
	_ =	sdelay $0x1  }
0x6b: {  	v62 =	vmul.f32 v57, v56;
	v0 =	vadd.f32 v61, v0;
	_ =	sdelay $0x1  }
0x6c: {  	v63 =	vmul.f32 v60, v59;
	v0 =	vadd.f32 v62, v0;
	_ =	sdelay $0x1  }
0x6d: {  	s22 =	simm.s32 $0x10;
	s23 =	simm.s32 $0x80;
	v0 =	vadd.f32 v63, v0  }
0x6e: {  	s31 =	sand.u32 $0x70, s22;
	s24 =	sand.u32 $0xC00, s23;
	s20 =	simm.s32 $0xC000  }
0x6f: {  	s21 =	sor.u32 s31, s24;
	s24 =	simm.s32 $0x20;
	[tilespmem:s20+$0x0] =	vst v0  }
.LBB2_4:
0x70: {  	p2 =	sne.s32 s24, $0x1F0;
	v0 =	vld [tilespmem:s21+$0x4000]  }
0x71: {  	v1 =	vld [tilespmem:s21+$0x8000]  }
0x72: {  	v2 =	vld [tilespmem:s21+$0x8080]  }
0x73: {  	s25 =	sand.u32 $0xFFFFFC00, s23;
	v3 =	vld [tilespmem:s21+$0x4080]  }
0x74: {  	s25 =	sadd.s32 s25, s22;
	v4 =	vld [tilespmem:s21+$0x8100]  }
0x75: {  	s26 =	sor.u32 $0x180, s25;
	v5 =	vld [tilespmem:s21+$0x4100]  }
0x76: {  	v0 =	vmul.f32 v0, v1;
	v1 =	vld [tilespmem:s26+$0x8000]  }
0x77: {  	v6 =	vld [tilespmem:s26+$0x4000]  }
0x78: {  	v0 =	vadd.f32 $0.0e+00, v0;
	v2 =	vmul.f32 v3, v2;
	v3 =	vld [tilespmem:s21+$0x8200]  }
0x79: {  	v7 =	vld [tilespmem:s21+$0x4200]  }
0x7a: {  	v0 =	vadd.f32 v2, v0;
	v2 =	vmul.f32 v5, v4;
	v4 =	vld [tilespmem:s21+$0x8280]  }
0x7b: {  	v5 =	vld [tilespmem:s21+$0x4280]  }
0x7c: {  	s26 =	sor.u32 s22, s23;
	s22 =	smov.u32 s24;
	v0 =	vadd.f32 v2, v0;
	v1 =	vmul.f32 v6, v1;
	v2 =	vld [tilespmem:s21+$0x8300]  }
0x7d: {  	s28 =	sor.u32 $0x380, s26;
	v6 =	vld [tilespmem:s21+$0x4300]  }
0x7e: {  	v0 =	vadd.f32 v1, v0;
	v1 =	vmul.f32 v7, v3;
	v3 =	vld [tilespmem:s28+$0x8000]  }
0x7f: {  	v7 =	vld [tilespmem:s28+$0x4000]  }
0x80: {  	v0 =	vadd.f32 v1, v0;
	v1 =	vmul.f32 v5, v4;
	v4 =	vld [tilespmem:s21+$0x9000]  }
0x81: {  	v5 =	vld [tilespmem:s21+$0x5000]  }
0x82: {  	v0 =	vadd.f32 v1, v0;
	v1 =	vmul.f32 v6, v2;
	v2 =	vld [tilespmem:s21+$0x9080]  }
0x83: {  	v6 =	vld [tilespmem:s21+$0x5080]  }
0x84: {  	v0 =	vadd.f32 v1, v0;
	v1 =	vmul.f32 v7, v3;
	v3 =	vld [tilespmem:s21+$0x9100]  }
0x85: {  	s28 =	sor.u32 $0x1180, s25;
	v7 =	vld [tilespmem:s21+$0x5100]  }
0x86: {  	v0 =	vadd.f32 v1, v0;
	v1 =	vmul.f32 v5, v4;
	v4 =	vld [tilespmem:s28+$0x8000]  }
0x87: {  	v5 =	vld [tilespmem:s28+$0x4000]  }
0x88: {  	v0 =	vadd.f32 v1, v0;
	v1 =	vmul.f32 v6, v2;
	v2 =	vld [tilespmem:s21+$0x9200]  }
0x89: {  	v6 =	vld [tilespmem:s21+$0x5200]  }
0x8a: {  	v0 =	vadd.f32 v1, v0;
	v1 =	vmul.f32 v7, v3;
	v3 =	vld [tilespmem:s21+$0x9280]  }
0x8b: {  	v7 =	vld [tilespmem:s21+$0x5280]  }
0x8c: {  	v0 =	vadd.f32 v1, v0;
	v1 =	vmul.f32 v5, v4;
	v4 =	vld [tilespmem:s21+$0x9300]  }
0x8d: {  	s28 =	sor.u32 $0x1380, s26;
	v5 =	vld [tilespmem:s21+$0x5300]  }
0x8e: {  	v0 =	vadd.f32 v1, v0;
	v1 =	vmul.f32 v6, v2;
	v2 =	vld [tilespmem:s28+$0x8000]  }
0x8f: {  	v6 =	vld [tilespmem:s28+$0x4000]  }
0x90: {  	v0 =	vadd.f32 v1, v0;
	v1 =	vmul.f32 v7, v3;
	v3 =	vld [tilespmem:s21+$0xA000]  }
0x91: {  	v7 =	vld [tilespmem:s21+$0x6000]  }
0x92: {  	v0 =	vadd.f32 v1, v0;
	v1 =	vmul.f32 v5, v4;
	v4 =	vld [tilespmem:s21+$0xA080]  }
0x93: {  	v5 =	vld [tilespmem:s21+$0x6080]  }
0x94: {  	v0 =	vadd.f32 v1, v0;
	v1 =	vmul.f32 v6, v2;
	v2 =	vld [tilespmem:s21+$0xA100]  }
0x95: {  	s25 =	sor.u32 $0x2180, s25;
	v6 =	vld [tilespmem:s21+$0x6100]  }
0x96: {  	v0 =	vadd.f32 v1, v0;
	v1 =	vmul.f32 v7, v3;
	v3 =	vld [tilespmem:s25+$0x8000]  }
0x97: {  	v7 =	vld [tilespmem:s25+$0x4000]  }
0x98: {  	v0 =	vadd.f32 v1, v0;
	v1 =	vmul.f32 v5, v4;
	v4 =	vld [tilespmem:s21+$0xA200]  }
0x99: {  	v5 =	vld [tilespmem:s21+$0x6200]  }
0x9a: {  	v0 =	vadd.f32 v1, v0;
	v1 =	vmul.f32 v6, v2;
	v2 =	vld [tilespmem:s21+$0xA280]  }
0x9b: {  	v6 =	vld [tilespmem:s21+$0x6280]  }
0x9c: {  	v0 =	vadd.f32 v1, v0;
	v1 =	vmul.f32 v7, v3;
	v3 =	vld [tilespmem:s21+$0xA300]  }
0x9d: {  	s25 =	sor.u32 $0x2380, s26;
	v7 =	vld [tilespmem:s21+$0x6300]  }
0x9e: {  	v0 =	vadd.f32 v1, v0;
	v1 =	vmul.f32 v5, v4;
	v4 =	vld [tilespmem:s25+$0x8000]  }
0x9f: {  	v5 =	vld [tilespmem:s25+$0x4000]  }
0xa0: {  	v0 =	vadd.f32 v1, v0;
	v1 =	vmul.f32 v6, v2;
	v2 =	vld [tilespmem:s21+$0xB000]  }
0xa1: {  	v6 =	vld [tilespmem:s21+$0x7000]  }
0xa2: {  	v0 =	vadd.f32 v1, v0;
	v1 =	vmul.f32 v7, v3;
	v3 =	vld [tilespmem:s21+$0xB080]  }
0xa3: {  	v7 =	vld [tilespmem:s21+$0x7080]  }
0xa4: {  	v0 =	vadd.f32 v1, v0;
	v1 =	vmul.f32 v5, v4;
	_ =	sdelay $0x1  }
0xa5: {  	v0 =	vadd.f32 v1, v0;
	v1 =	vmul.f32 v6, v2;
	_ =	sdelay $0x1  }
.Ltmp1:
0xa6: {  	v0 =	vadd.f32 v1, v0;
	v1 =	vmul.f32 v7, v3;
	(pc) =	sbr.rel @p2 .LBB2_4-.Ltmp1, $4  }
0xa7: {  	_ = 	snop  }
0xa8: {  	s23 =	sadd.s32 $0x80, s23;
	v0 =	vadd.f32 v1, v0  }
0xa9: {  	s20 =	sadd.s32 $0x10, s20;
	s25 =	sand.u32 $0xC00, s23;
	s21 =	sand.u32 $0x70, s24  }
0xaa: {  	s24 =	sadd.s32 $0x10, s24;
	s21 =	sor.u32 s21, s25;
	[tilespmem:s20+$0x0] =	vst v0  }
0xab: {  	v0 =	vld [tilespmem:s21+$0x4000]  }
0xac: {  	v1 =	vld [tilespmem:s21+$0x8000]  }
0xad: {  	v2 =	vld [tilespmem:s21+$0x8080]  }
0xae: {  	s24 =	sand.u32 $0xFFFFFC00, s23;
	v3 =	vld [tilespmem:s21+$0x4080]  }
0xaf: {  	v4 =	vld [tilespmem:s21+$0x8100];
	s24 =	sadd.s32 s24, s22  }
0xb0: {  	v5 =	vld [tilespmem:s21+$0x4100];
	s25 =	sor.u32 $0x180, s24  }
0xb1: {  	v52 =	vld [tilespmem:s25+$0x8000];
	v0 =	vmul.f32 v0, v1  }
0xb2: {  	v6 =	vld [tilespmem:s25+$0x4000]  }
0xb3: {  	v53 =	vld [tilespmem:s21+$0x8200];
	v2 =	vmul.f32 v3, v2;
	v0 =	vadd.f32 $0.0e+00, v0  }
0xb4: {  	v7 =	vld [tilespmem:s21+$0x4200]  }
0xb5: {  	v55 =	vld [tilespmem:s21+$0x8280];
	v54 =	vmul.f32 v5, v4;
	v0 =	vadd.f32 v2, v0  }
0xb6: {  	v56 =	vld [tilespmem:s21+$0x4280]  }
0xb7: {  	v57 =	vld [tilespmem:s21+$0x8300];
	s28 =	sor.u32 s22, s23;
	v1 =	vmul.f32 v6, v52;
	v0 =	vadd.f32 v54, v0  }
0xb8: {  	v58 =	vld [tilespmem:s21+$0x4300];
	s23 =	sor.u32 $0x380, s28  }
0xb9: {  	v60 =	vld [tilespmem:s23+$0x8000];
	v59 =	vmul.f32 v7, v53;
	v0 =	vadd.f32 v1, v0  }
0xba: {  	v61 =	vld [tilespmem:s23+$0x4000]  }
0xbb: {  	v63 =	vld [tilespmem:s21+$0x9000];
	v62 =	vmul.f32 v56, v55;
	v0 =	vadd.f32 v59, v0  }
0xbc: {  	v9 =	vld [tilespmem:s21+$0x5000]  }
0xbd: {  	v11 =	vld [tilespmem:s21+$0x9080];
	v10 =	vmul.f32 v58, v57;
	v0 =	vadd.f32 v62, v0  }
0xbe: {  	v12 =	vld [tilespmem:s21+$0x5080]  }
0xbf: {  	v14 =	vld [tilespmem:s21+$0x9100];
	v13 =	vmul.f32 v61, v60;
	v0 =	vadd.f32 v10, v0  }
0xc0: {  	v15 =	vld [tilespmem:s21+$0x5100];
	s29 =	sor.u32 $0x1180, s24  }
0xc1: {  	v17 =	vld [tilespmem:s29+$0x8000];
	v16 =	vmul.f32 v9, v63;
	v0 =	vadd.f32 v13, v0  }
0xc2: {  	v18 =	vld [tilespmem:s29+$0x4000]  }
0xc3: {  	v20 =	vld [tilespmem:s21+$0x9200];
	v19 =	vmul.f32 v12, v11;
	v0 =	vadd.f32 v16, v0  }
0xc4: {  	v21 =	vld [tilespmem:s21+$0x5200]  }
0xc5: {  	v23 =	vld [tilespmem:s21+$0x9280];
	v22 =	vmul.f32 v15, v14;
	v0 =	vadd.f32 v19, v0  }
0xc6: {  	v24 =	vld [tilespmem:s21+$0x5280]  }
0xc7: {  	v26 =	vld [tilespmem:s21+$0x9300];
	v25 =	vmul.f32 v18, v17;
	v0 =	vadd.f32 v22, v0  }
0xc8: {  	v27 =	vld [tilespmem:s21+$0x5300];
	s30 =	sor.u32 $0x1380, s28  }
0xc9: {  	v29 =	vld [tilespmem:s30+$0x8000];
	v28 =	vmul.f32 v21, v20;
	v0 =	vadd.f32 v25, v0  }
0xca: {  	v30 =	vld [tilespmem:s30+$0x4000]  }
0xcb: {  	v32 =	vld [tilespmem:s21+$0xA000];
	v31 =	vmul.f32 v24, v23;
	v0 =	vadd.f32 v28, v0  }
0xcc: {  	v33 =	vld [tilespmem:s21+$0x6000]  }
0xcd: {  	v35 =	vld [tilespmem:s21+$0xA080];
	v34 =	vmul.f32 v27, v26;
	v0 =	vadd.f32 v31, v0  }
0xce: {  	v36 =	vld [tilespmem:s21+$0x6080]  }
0xcf: {  	v38 =	vld [tilespmem:s21+$0xA100];
	v37 =	vmul.f32 v30, v29;
	v0 =	vadd.f32 v34, v0  }
0xd0: {  	v39 =	vld [tilespmem:s21+$0x6100];
	s31 =	sor.u32 $0x2180, s24  }
0xd1: {  	v41 =	vld [tilespmem:s31+$0x8000];
	v40 =	vmul.f32 v33, v32;
	v0 =	vadd.f32 v37, v0  }
0xd2: {  	v42 =	vld [tilespmem:s31+$0x4000]  }
0xd3: {  	v44 =	vld [tilespmem:s21+$0xA200];
	v43 =	vmul.f32 v36, v35;
	v0 =	vadd.f32 v40, v0  }
0xd4: {  	v45 =	vld [tilespmem:s21+$0x6200]  }
0xd5: {  	v47 =	vld [tilespmem:s21+$0xA280];
	v46 =	vmul.f32 v39, v38;
	v0 =	vadd.f32 v43, v0  }
0xd6: {  	v48 =	vld [tilespmem:s21+$0x6280]  }
0xd7: {  	v50 =	vld [tilespmem:s21+$0xA300];
	v49 =	vmul.f32 v42, v41;
	v0 =	vadd.f32 v46, v0  }
0xd8: {  	v51 =	vld [tilespmem:s21+$0x6300];
	s22 =	sor.u32 $0x2380, s28  }
0xd9: {  	v53 =	vld [tilespmem:s22+$0x8000];
	v52 =	vmul.f32 v45, v44;
	v0 =	vadd.f32 v49, v0  }
0xda: {  	v54 =	vld [tilespmem:s22+$0x4000]  }
0xdb: {  	v55 =	vmul.f32 v48, v47;
	v56 =	vld [tilespmem:s21+$0xB000];
	v0 =	vadd.f32 v52, v0  }
0xdc: {  	v57 =	vld [tilespmem:s21+$0x7000]  }
0xdd: {  	v58 =	vmul.f32 v51, v50;
	v60 =	vld [tilespmem:s21+$0x7080];
	v0 =	vadd.f32 v55, v0  }
0xde: {  	v59 =	vld [tilespmem:s21+$0xB080]  }
0xdf: {  	v61 =	vmul.f32 v54, v53;
	v0 =	vadd.f32 v58, v0;
	_ =	sdelay $0x1  }
0xe0: {  	v62 =	vmul.f32 v57, v56;
	v0 =	vadd.f32 v61, v0;
	_ =	sdelay $0x1  }
0xe1: {  	v63 =	vmul.f32 v60, v59;
	v0 =	vadd.f32 v62, v0;
	_ =	sdelay $0x1  }
0xe2: {  	s19 =	sadd.s32 $0x1, s19;
	v0 =	vadd.f32 v63, v0  }
0xe3: {  	s20 =	sadd.s32 $0x10, s20;
	p2 =	sne.s32 s19, s9  }
.Ltmp2:
0xe4: {  	[tilespmem:s20+$0x0] =	vst v0;
	(pc) =	sbr.rel @p2 .LBB2_1-.Ltmp2, $4  }
0xe5: {  	[hbm4b:s8+s3] =	stream.linear.scatter [tilespmem:s18], [sflag:$0x2], $0x200, $0x38;
	[tilespmem:$0x1B628] =	vst v63  }
0xe6: {  	_ =	swait.ge [sflag:s15], $0x200  }
0xe7: {  	[sflag:s15] =	ssyncset.done $0x0  }
0xe8: {  	[sflag:s15] =	ssyncadd.s32 $0xFFFFFE00  }
0xe9: {  	_ =	sfence.sel $0x180000  }
0xea: {  	[bflag:$0x0] =	sbarrier.arrive $0xFFFF  }
0xeb: {  	p0 =	sne.s32 s2, $0x0;
	_ =	strace $0x90000047  }
0xec: {  	s0 =	sadd.s32 @!p0 $0x100000, s0;
	[bflag:$0x2] =	sbarrier.arrive $0xFFFF  }
0xed: {  	[sflag:s0] =	ssyncadd.tile.s32 @!p0 $0x1;
	_ =	shalt  }
.Lfunc_end2:
_tile_overlayer_lowered:
.L_overlay_start_2:
0xee: {  	(tag) =	ssettag $0x2  }
0xef: {  	s0 =	rddreg [dreg:$0x0];
	s2 =	stileid.u32  }
0xf0: {  	s1 =	rddreg [dreg:$0x1];
	p0 =	sne.s32 s2, $0x0  }
0xf1: {  	s3 =	rddreg [dreg:$0x2];
	[bflag:$0x3] =	sbarrier.arrive $0xFFFF;
	s2 =	simm.s32 @!p0 $0x1C02  }
0xf2: {  	[timem:s3], [sflag:s2] =	dma.local @!p0 [hbm:s0], s1  }
0xf3: {  	s0 =	simm.s32 @!p0 $0x2  }
0xf4: {  	_ =	swait.ge @!p0 [sflag:s0], s1  }
0xf5: {  	s1 =	ssub.s32 @!p0 $0x0, s1;
	[sflag:s0] =	ssyncset.done @!p0 $0x0  }
0xf6: {  	[sflag:s0] =	ssyncadd.s32 @!p0 s1  }
0xf7: {  	[bflag:$0x3] =	sbarrier.arrive $0xFFFF  }
0xf8: {  	_ =	shalt  }

</sc_bundles>
